<compile_context>
chip_gen: v7x
topology: tpu7x:2x2x1
jax: 0.10.2.dev20260603
libtpu: 0.0.44.dev20260713+nightly
codegen_flags: <defaults>
</compile_context>

<pallas_src>
import functools

import jax
import jax.numpy as jnp
from jax import lax
from jax.experimental import pallas as pl
from jax.experimental.pallas import tpu as pltpu
from jax.experimental.pallas import tpu_sc as plsc

N = 10000
NP = 10240
E = 320000
D = 128
NC = 2
NS = 16
NW = NC * NS
EPW = E // NW
K = 80
NCHUNK = 128
EPWP = NCHUNK * K
RPT = NP // NS

_mesh = plsc.VectorSubcoreMesh(core_axis_name="c", subcore_axis_name="s")


@functools.partial(
    pl.kernel,
    out_type=jax.ShapeDtypeStruct((NC, NP), jnp.float32),
    mesh=_mesh,
    scratch_types=[
        pltpu.VMEM((NCHUNK, K), jnp.int32),
        pltpu.VMEM((K,), jnp.float32),
        pltpu.VMEM_SHARED((NP,), jnp.float32),
        pltpu.SemaphoreType.DMA,
    ],
)
def _deg_partials(col2d_hbm, ones_hbm, zeros_hbm, out_hbm, colbig, onesb, acc, sem):
    c = lax.axis_index("c")
    s = lax.axis_index("s")
    wid = s * NC + c
    pltpu.sync_copy(ones_hbm, onesb)
    pltpu.sync_copy(col2d_hbm.at[pl.ds(wid * NCHUNK, NCHUNK)], colbig)

    @pl.when(s == 0)
    def _():
        pltpu.sync_copy(zeros_hbm, acc)

    plsc.subcore_barrier()

    def body(j, carry):
        pltpu.sync_copy(onesb, acc.at[colbig.at[j]], add=True)
        return carry

    lax.fori_loop(0, NCHUNK, body, 0)
    plsc.subcore_barrier()

    @pl.when(s == 0)
    def _():
        pltpu.sync_copy(acc, out_hbm.at[c])


@functools.partial(
    pl.kernel,
    out_type=jax.ShapeDtypeStruct((NC, NP, D), jnp.float32),
    mesh=_mesh,
    scratch_types=[
        pltpu.VMEM((K,), jnp.int32),
        pltpu.VMEM((K,), jnp.int32),
        pltpu.VMEM((K, D), jnp.float32),
        pltpu.VMEM_SHARED((NP, D), jnp.float32),
        pltpu.SemaphoreType.DMA,
    ],
)
def _scatter_partials(y_hbm, rowp_hbm, colp_hbm, zeros_hbm, out_hbm,
                      rowb, colb, gbuf, acc, sg0):
    c = lax.axis_index("c")
    s = lax.axis_index("s")
    wid = s * NC + c
    pltpu.sync_copy(zeros_hbm.at[pl.ds(s * RPT, RPT)], acc.at[pl.ds(s * RPT, RPT)])
    plsc.subcore_barrier()

    base = wid * EPWP

    def body(j, carry):
        pltpu.sync_copy(rowp_hbm.at[pl.ds(base + j * K, K)], rowb)
        pltpu.sync_copy(colp_hbm.at[pl.ds(base + j * K, K)], colb)
        pltpu.async_copy(y_hbm.at[rowb], gbuf, sg0).wait()
        pltpu.sync_copy(gbuf, acc.at[colb], add=True)
        return carry

    lax.fori_loop(0, NCHUNK, body, 0)

    plsc.subcore_barrier()
    pltpu.sync_copy(acc.at[pl.ds(s * RPT, RPT)],
                    out_hbm.at[c, pl.ds(s * RPT, RPT)])


R = 1000


def _tcb_body(degt_ref, x_ref, w_ref, y_ref, disb_ref):
    d = degt_ref[...]
    dis = lax.rsqrt(d[:, 0:1] + d[:, 1:2] + 1.0)
    xw = jnp.dot(x_ref[...], w_ref[...], preferred_element_type=jnp.float32)
    y_ref[...] = dis * xw
    disb_ref[...] = jnp.broadcast_to(dis, xw.shape)


_tcb = pl.pallas_call(
    _tcb_body,
    grid=(N // R,),
    in_specs=[
        pl.BlockSpec((R, 2), lambda i: (i, 0)),
        pl.BlockSpec((R, D), lambda i: (i, 0)),
        pl.BlockSpec((D, D), lambda i: (0, 0)),
    ],
    out_specs=[
        pl.BlockSpec((R, D), lambda i: (i, 0)),
        pl.BlockSpec((R, D), lambda i: (i, 0)),
    ],
    out_shape=[
        jax.ShapeDtypeStruct((N, D), jnp.float32),
        jax.ShapeDtypeStruct((N, D), jnp.float32),
    ],
)


def _tcd_body(a0_ref, a1_ref, y1_ref, disb_ref, b1_ref, w2_ref, y2_ref):
    dis = disb_ref[...]
    h = jnp.tanh(dis * (a0_ref[...] + a1_ref[...] + y1_ref[...]) + b1_ref[...])
    y2_ref[...] = dis * jnp.dot(h, w2_ref[...], preferred_element_type=jnp.float32)


_tcd = pl.pallas_call(
    _tcd_body,
    grid=(N // R,),
    in_specs=[
        pl.BlockSpec((R, D), lambda i: (i, 0)),
        pl.BlockSpec((R, D), lambda i: (i, 0)),
        pl.BlockSpec((R, D), lambda i: (i, 0)),
        pl.BlockSpec((R, D), lambda i: (i, 0)),
        pl.BlockSpec((1, D), lambda i: (0, 0)),
        pl.BlockSpec((D, D), lambda i: (0, 0)),
    ],
    out_specs=pl.BlockSpec((R, D), lambda i: (i, 0)),
    out_shape=jax.ShapeDtypeStruct((N, D), jnp.float32),
)


def _tcf_body(a0_ref, a1_ref, y2_ref, disb_ref, b2_ref, o_ref):
    o_ref[...] = (disb_ref[...] * (a0_ref[...] + a1_ref[...] + y2_ref[...])
                  + b2_ref[...])


_tcf = pl.pallas_call(
    _tcf_body,
    grid=(N // R,),
    in_specs=[
        pl.BlockSpec((R, D), lambda i: (i, 0)),
        pl.BlockSpec((R, D), lambda i: (i, 0)),
        pl.BlockSpec((R, D), lambda i: (i, 0)),
        pl.BlockSpec((R, D), lambda i: (i, 0)),
        pl.BlockSpec((1, D), lambda i: (0, 0)),
    ],
    out_specs=pl.BlockSpec((R, D), lambda i: (i, 0)),
    out_shape=jax.ShapeDtypeStruct((N, D), jnp.float32),
)


@jax.jit
def kernel(x, edge_index, W1, b1, W2, b2):
    row = edge_index[0].astype(jnp.int32)
    col = edge_index[1].astype(jnp.int32)
    x = x.astype(jnp.float32)

    pad_r = jnp.zeros((NW, EPWP - EPW), jnp.int32)
    pad_c = jnp.full((NW, EPWP - EPW), N, jnp.int32)
    rowp = jnp.concatenate([row.reshape(NW, EPW), pad_r], axis=1).reshape(-1)
    colp2 = jnp.concatenate([col.reshape(NW, EPW), pad_c], axis=1)
    colp = colp2.reshape(-1)
    col2d = colp2.reshape(NW * NCHUNK, K)

    ones_k = jnp.ones((K,), jnp.float32)
    zeros1 = jnp.zeros((NP,), jnp.float32)
    zeros2 = jnp.zeros((NP, D), jnp.float32)

    degp = _deg_partials(col2d, ones_k, zeros1)
    degt = degp.T

    y1, disb = _tcb(degt, x, W1)
    a1 = _scatter_partials(y1, rowp, colp, zeros2)
    y2 = _tcd(a1[0], a1[1], y1, disb, b1.reshape(1, D), W2)
    a2 = _scatter_partials(y2, rowp, colp, zeros2)
    out = _tcf(a2[0], a2[1], y2, disb, b2.reshape(1, D))
    return out

# --- scband reference (transcript-rebuilt; emitter-appended) ---
"""Pipeline reference for scband-mpnn-9998683865479 (READ-ONLY COPY).

The authoritative reference and input builder live on the scoring server;
editing this copy changes nothing except your own understanding.
"""

import jax, jax.numpy as jnp
import numpy as np

N_NODES = 10000
N_EDGES = 320000
D = 128


def setup_inputs(seed: int = 0) -> dict:
    key = jax.random.key(seed)
    ks = jax.random.split(key, 7)
    x = jax.random.normal(ks[0], (N_NODES, D), dtype=jnp.float32)
    edge_index = jax.random.randint(ks[1], (2, N_EDGES), 0, N_NODES, dtype=jnp.int64)
    W1 = jax.random.normal(ks[2], (D, D), dtype=jnp.float32) * 0.05
    b1 = jnp.zeros((D,), dtype=jnp.float32)
    W2 = jax.random.normal(ks[3], (D, D), dtype=jnp.float32) * 0.05
    b2 = jnp.zeros((D,), dtype=jnp.float32)
    return {"x": x, "edge_index": edge_index, "W1": W1, "b1": b1, "W2": W2, "b2": b2}


def _gcn_conv(x, edge_index, W, b):
    # GCNConv: add self loops, linear transform, symmetric degree norm, scatter-add
    N = x.shape[0]
    sl = jnp.arange(N, dtype=edge_index.dtype)
    row = jnp.concatenate([edge_index[0], sl])
    col = jnp.concatenate([edge_index[1], sl])
    xw = x @ W
    deg = jnp.zeros((N,), dtype=x.dtype).at[col].add(1.0)
    deg_inv_sqrt = jnp.where(deg > 0, 1.0 / jnp.sqrt(jnp.maximum(deg, 1.0)), 0.0)
    norm = deg_inv_sqrt[row] * deg_inv_sqrt[col]
    msg = norm[:, None] * xw[row]
    out = jnp.zeros_like(xw).at[col].add(msg)
    return out + b


def reference(x, edge_index, W1, b1, W2, b2):
    h = _gcn_conv(x, edge_index, W1, b1)
    h = jnp.tanh(h)
    out = _gcn_conv(h, edge_index, W2, b2)
    return out

if __name__ == "__main__":
    import jax
    _d = setup_inputs()
    print(jax.jit(kernel)(*tuple(_d.values())))

</pallas_src>

<mosaic_0001>
#map = affine_map<(d0, d1) -> (0, 0)>
#map1 = affine_map<(d0, d1) -> (0)>
module attributes {stable_mosaic.version = 14 : i64} {
  func.func @_deg_partials(%arg0: i32, %arg1: i32, %arg2: memref<4096x80xi32, #tpu.memory_space<hbm>>, %arg3: memref<80xf32, #tpu.memory_space<hbm>>, %arg4: memref<10240xf32, #tpu.memory_space<hbm>>, %arg5: memref<2x10240xf32, #tpu.memory_space<hbm>>, %arg6: memref<128x80xi32, #tpu.memory_space<vmem>>, %arg7: memref<80xf32, #tpu.memory_space<vmem>>, %arg8: memref<10240xf32, #tpu.memory_space<vmem_shared>>, %arg9: memref<!tpu.dma_semaphore, #tpu.memory_space<semaphore_mem>>) attributes {dimension_semantics = [#tpu.dimension_semantics<core_parallel>, #tpu.dimension_semantics<subcore_parallel>], iteration_bounds = array<i64: 2, 16>, scalar_prefetch = 0 : i64, scratch_operands = 4 : i64, tpu.core_type = #tpu.core_type<sc_vector_subcore>, window_params = [{transform_indices = #map}, {transform_indices = #map1}, {transform_indices = #map1}, {transform_indices = #map}]} {
    %mul3A = arith.constant 2 : i32
    %mul3A_0 = arith.muli %arg1, %mul3A : i32
    %add3A = arith.addi %mul3A_0, %arg0 : i32
    "tpu.region"() ({
      %run_scoped3A = tpu.sem_alloc : memref<!tpu.dma_semaphore, #tpu.memory_space<semaphore_mem>>
      tpu.enqueue_dma source(%arg3 : memref<80xf32, #tpu.memory_space<hbm>>) target(%arg7 : memref<80xf32, #tpu.memory_space<vmem>>) target_semaphore(%run_scoped3A : memref<!tpu.dma_semaphore, #tpu.memory_space<semaphore_mem>>)
      tpu.wait_dma2 semaphore(%run_scoped3A : memref<!tpu.dma_semaphore, #tpu.memory_space<semaphore_mem>>) src(%arg3 : memref<80xf32, #tpu.memory_space<hbm>>) dst(%arg7 : memref<80xf32, #tpu.memory_space<vmem>>)
      tpu.yield
    }) : () -> ()
    %mul3A_1 = arith.constant 128 : i32
    %mul3A_2 = arith.muli %add3A, %mul3A_1 : i32
    "tpu.region"() ({
      %run_scoped3A = tpu.sem_alloc : memref<!tpu.dma_semaphore, #tpu.memory_space<semaphore_mem>>
      %dma_start3A = arith.constant 0 : i32
      %dma_start3A_16 = tpu.memref_slice %arg2[%mul3A_2, %dma_start3A] : memref<4096x80xi32, #tpu.memory_space<hbm>> -> memref<128x80xi32, #tpu.memory_space<hbm>>
      %dma_start3A_17 = arith.constant 0 : i32
      %dma_start3A_18 = tpu.memref_slice %arg2[%mul3A_2, %dma_start3A_17] : memref<4096x80xi32, #tpu.memory_space<hbm>> -> memref<128x80xi32, #tpu.memory_space<hbm>>
      tpu.enqueue_dma source(%dma_start3A_18 : memref<128x80xi32, #tpu.memory_space<hbm>>) target(%arg6 : memref<128x80xi32, #tpu.memory_space<vmem>>) target_semaphore(%run_scoped3A : memref<!tpu.dma_semaphore, #tpu.memory_space<semaphore_mem>>)
      %dma_wait3A = arith.constant 0 : i32
      %dma_wait3A_19 = tpu.memref_slice %arg2[%mul3A_2, %dma_wait3A] : memref<4096x80xi32, #tpu.memory_space<hbm>> -> memref<128x80xi32, #tpu.memory_space<hbm>>
      %dma_wait3A_20 = arith.constant 0 : i32
      %dma_wait3A_21 = tpu.memref_slice %arg2[%mul3A_2, %dma_wait3A_20] : memref<4096x80xi32, #tpu.memory_space<hbm>> -> memref<128x80xi32, #tpu.memory_space<hbm>>
      tpu.wait_dma2 semaphore(%run_scoped3A : memref<!tpu.dma_semaphore, #tpu.memory_space<semaphore_mem>>) src(%dma_wait3A_21 : memref<128x80xi32, #tpu.memory_space<hbm>>) dst(%arg6 : memref<128x80xi32, #tpu.memory_space<vmem>>)
      tpu.yield
    }) : () -> ()
    %eq3A = arith.constant 0 : i32
    %eq3A_3 = arith.cmpi eq, %arg1, %eq3A : i32
    %convert_element_type3A = arith.extui %eq3A_3 : i1 to i32
    %cond3A = arith.constant 0 : i32
    %cond3A_4 = arith.cmpi ne, %convert_element_type3A, %cond3A : i32
    scf.if %cond3A_4 {
      "tpu.region"() ({
        %run_scoped3A = tpu.sem_alloc : memref<!tpu.dma_semaphore, #tpu.memory_space<semaphore_mem>>
        tpu.enqueue_dma source(%arg4 : memref<10240xf32, #tpu.memory_space<hbm>>) target(%arg8 : memref<10240xf32, #tpu.memory_space<vmem_shared>>) target_semaphore(%run_scoped3A : memref<!tpu.dma_semaphore, #tpu.memory_space<semaphore_mem>>)
        tpu.wait_dma2 semaphore(%run_scoped3A : memref<!tpu.dma_semaphore, #tpu.memory_space<semaphore_mem>>) src(%arg4 : memref<10240xf32, #tpu.memory_space<hbm>>) dst(%arg8 : memref<10240xf32, #tpu.memory_space<vmem_shared>>)
        tpu.yield
      }) : () -> ()
    } else {
    }
    %barrier3A = arith.constant 0 : index
    tpu.barrier barrier_id(%barrier3A)
    %scan3A = arith.constant 0 : i32
    %scan3A_5 = arith.constant 0 : i32
    %scan3A_6 = arith.constant 128 : i32
    %scan3A_7 = arith.addi %scan3A_5, %scan3A_6 : i32
    %scan3A_8 = arith.constant 1 : i32
    scf.for %scan3A_16 = %scan3A_5 to %scan3A_7 step %scan3A_8  : i32 {
      "tpu.region"() ({
        %run_scoped3A = tpu.sem_alloc : memref<!tpu.dma_semaphore, #tpu.memory_space<semaphore_mem>>
        %dma_start3A = arith.constant 0 : i32
        %dma_start3A_17 = tpu.memref_slice %arg6[%scan3A_16, %dma_start3A] : memref<128x80xi32, #tpu.memory_space<vmem>> -> memref<1x80xi32, #tpu.memory_space<vmem>>
        %dma_start3A_18 = tpu.memref_squeeze %dma_start3A_17 : memref<1x80xi32, #tpu.memory_space<vmem>> -> memref<80xi32, #tpu.memory_space<vmem>>
        %dma_start3A_19 = arith.constant 0 : i32
        %dma_start3A_20 = tpu.memref_slice %arg8[%dma_start3A_19] : memref<10240xf32, #tpu.memory_space<vmem_shared>> -> memref<10240xf32, #tpu.memory_space<vmem_shared>>
        tpu.enqueue_indirect_dma source(%arg7 : memref<80xf32, #tpu.memory_space<vmem>>) target(%dma_start3A_20 : memref<10240xf32, #tpu.memory_space<vmem_shared>>) offsets(%dma_start3A_18 : memref<80xi32, #tpu.memory_space<vmem>>) semaphore(%run_scoped3A : memref<!tpu.dma_semaphore, #tpu.memory_space<semaphore_mem>>) {add = true}
        %dma_wait3A = arith.constant 0 : i32
        %dma_wait3A_21 = tpu.memref_slice %arg6[%scan3A_16, %dma_wait3A] : memref<128x80xi32, #tpu.memory_space<vmem>> -> memref<1x80xi32, #tpu.memory_space<vmem>>
        %dma_wait3A_22 = tpu.memref_squeeze %dma_wait3A_21 : memref<1x80xi32, #tpu.memory_space<vmem>> -> memref<80xi32, #tpu.memory_space<vmem>>
        %dma_wait3A_23 = arith.constant 0 : i32
        %dma_wait3A_24 = tpu.memref_slice %arg8[%dma_wait3A_23] : memref<10240xf32, #tpu.memory_space<vmem_shared>> -> memref<10240xf32, #tpu.memory_space<vmem_shared>>
        tpu.wait_indirect_dma semaphore(%run_scoped3A : memref<!tpu.dma_semaphore, #tpu.memory_space<semaphore_mem>>) src(%arg7 : memref<80xf32, #tpu.memory_space<vmem>>) dst(%dma_wait3A_24 : memref<10240xf32, #tpu.memory_space<vmem_shared>>)
        tpu.yield
      }) : () -> ()
    }
    %scan3A_9 = arith.constant 128 : i32
    %barrier3A_10 = arith.constant 0 : index
    tpu.barrier barrier_id(%barrier3A_10)
    %eq3A_11 = arith.constant 0 : i32
    %eq3A_12 = arith.cmpi eq, %arg1, %eq3A_11 : i32
    %convert_element_type3A_13 = arith.extui %eq3A_12 : i1 to i32
    %cond3A_14 = arith.constant 0 : i32
    %cond3A_15 = arith.cmpi ne, %convert_element_type3A_13, %cond3A_14 : i32
    scf.if %cond3A_15 {
      "tpu.region"() ({
        %run_scoped3A = tpu.sem_alloc : memref<!tpu.dma_semaphore, #tpu.memory_space<semaphore_mem>>
        %dma_start3A = arith.constant 0 : i32
        %dma_start3A_16 = tpu.memref_slice %arg5[%arg0, %dma_start3A] : memref<2x10240xf32, #tpu.memory_space<hbm>> -> memref<1x10240xf32, #tpu.memory_space<hbm>>
        %dma_start3A_17 = tpu.memref_squeeze %dma_start3A_16 : memref<1x10240xf32, #tpu.memory_space<hbm>> -> memref<10240xf32, #tpu.memory_space<hbm>>
        tpu.enqueue_dma source(%arg8 : memref<10240xf32, #tpu.memory_space<vmem_shared>>) target(%dma_start3A_17 : memref<10240xf32, #tpu.memory_space<hbm>>) target_semaphore(%run_scoped3A : memref<!tpu.dma_semaphore, #tpu.memory_space<semaphore_mem>>)
        %dma_wait3A = arith.constant 0 : i32
        %dma_wait3A_18 = tpu.memref_slice %arg5[%arg0, %dma_wait3A] : memref<2x10240xf32, #tpu.memory_space<hbm>> -> memref<1x10240xf32, #tpu.memory_space<hbm>>
        %dma_wait3A_19 = tpu.memref_squeeze %dma_wait3A_18 : memref<1x10240xf32, #tpu.memory_space<hbm>> -> memref<10240xf32, #tpu.memory_space<hbm>>
        tpu.wait_dma2 semaphore(%run_scoped3A : memref<!tpu.dma_semaphore, #tpu.memory_space<semaphore_mem>>) src(%arg8 : memref<10240xf32, #tpu.memory_space<vmem_shared>>) dst(%dma_wait3A_19 : memref<10240xf32, #tpu.memory_space<hbm>>)
        tpu.yield
      }) : () -> ()
    } else {
    }
    return
  }
}

#map = affine_map<(d0, d1) -> (0, 0)>
#map1 = affine_map<(d0, d1) -> (0)>
#map2 = affine_map<(d0, d1) -> (0, 0, 0)>
module attributes {stable_mosaic.version = 14 : i64} {
  func.func @_scatter_partials(%arg0: i32, %arg1: i32, %arg2: memref<10000x128xf32, #tpu.memory_space<hbm>>, %arg3: memref<327680xi32, #tpu.memory_space<hbm>>, %arg4: memref<327680xi32, #tpu.memory_space<hbm>>, %arg5: memref<10240x128xf32, #tpu.memory_space<hbm>>, %arg6: memref<2x10240x128xf32, #tpu.memory_space<hbm>>, %arg7: memref<80xi32, #tpu.memory_space<vmem>>, %arg8: memref<80xi32, #tpu.memory_space<vmem>>, %arg9: memref<80x128xf32, #tpu.memory_space<vmem>>, %arg10: memref<10240x128xf32, #tpu.memory_space<vmem_shared>>, %arg11: memref<!tpu.dma_semaphore, #tpu.memory_space<semaphore_mem>>) attributes {dimension_semantics = [#tpu.dimension_semantics<core_parallel>, #tpu.dimension_semantics<subcore_parallel>], iteration_bounds = array<i64: 2, 16>, scalar_prefetch = 0 : i64, scratch_operands = 5 : i64, tpu.core_type = #tpu.core_type<sc_vector_subcore>, window_params = [{transform_indices = #map}, {transform_indices = #map1}, {transform_indices = #map1}, {transform_indices = #map}, {transform_indices = #map2}]} {
    %mul3A = arith.constant 2 : i32
    %mul3A_0 = arith.muli %arg1, %mul3A : i32
    %add3A = arith.addi %mul3A_0, %arg0 : i32
    %mul3A_1 = arith.constant 640 : i32
    %mul3A_2 = arith.muli %arg1, %mul3A_1 : i32
    %mul3A_3 = arith.constant 640 : i32
    %mul3A_4 = arith.muli %arg1, %mul3A_3 : i32
    "tpu.region"() ({
      %run_scoped3A = tpu.sem_alloc : memref<!tpu.dma_semaphore, #tpu.memory_space<semaphore_mem>>
      %dma_start3A = arith.constant 0 : i32
      %dma_start3A_17 = tpu.memref_slice %arg10[%mul3A_4, %dma_start3A] : memref<10240x128xf32, #tpu.memory_space<vmem_shared>> -> memref<640x128xf32, #tpu.memory_space<vmem_shared>>
      %dma_start3A_18 = arith.constant 0 : i32
      %dma_start3A_19 = tpu.memref_slice %arg5[%mul3A_2, %dma_start3A_18] : memref<10240x128xf32, #tpu.memory_space<hbm>> -> memref<640x128xf32, #tpu.memory_space<hbm>>
      tpu.enqueue_dma source(%dma_start3A_19 : memref<640x128xf32, #tpu.memory_space<hbm>>) target(%dma_start3A_17 : memref<640x128xf32, #tpu.memory_space<vmem_shared>>) target_semaphore(%run_scoped3A : memref<!tpu.dma_semaphore, #tpu.memory_space<semaphore_mem>>)
      %dma_wait3A = arith.constant 0 : i32
      %dma_wait3A_20 = tpu.memref_slice %arg10[%mul3A_4, %dma_wait3A] : memref<10240x128xf32, #tpu.memory_space<vmem_shared>> -> memref<640x128xf32, #tpu.memory_space<vmem_shared>>
      %dma_wait3A_21 = arith.constant 0 : i32
      %dma_wait3A_22 = tpu.memref_slice %arg5[%mul3A_2, %dma_wait3A_21] : memref<10240x128xf32, #tpu.memory_space<hbm>> -> memref<640x128xf32, #tpu.memory_space<hbm>>
      tpu.wait_dma2 semaphore(%run_scoped3A : memref<!tpu.dma_semaphore, #tpu.memory_space<semaphore_mem>>) src(%dma_wait3A_22 : memref<640x128xf32, #tpu.memory_space<hbm>>) dst(%dma_wait3A_20 : memref<640x128xf32, #tpu.memory_space<vmem_shared>>)
      tpu.yield
    }) : () -> ()
    %barrier3A = arith.constant 0 : index
    tpu.barrier barrier_id(%barrier3A)
    %mul3A_5 = arith.constant 10240 : i32
    %mul3A_6 = arith.muli %add3A, %mul3A_5 : i32
    %scan3A = arith.constant 0 : i32
    %scan3A_7 = arith.constant 0 : i32
    %scan3A_8 = arith.constant 128 : i32
    %scan3A_9 = arith.addi %scan3A_7, %scan3A_8 : i32
    %scan3A_10 = arith.constant 1 : i32
    scf.for %scan3A_17 = %scan3A_7 to %scan3A_9 step %scan3A_10  : i32 {
      %mul3A_18 = arith.constant 80 : i32
      %mul3A_19 = arith.muli %scan3A_17, %mul3A_18 : i32
      %add3A_20 = arith.addi %mul3A_6, %mul3A_19 : i32
      "tpu.region"() ({
        %run_scoped3A = tpu.sem_alloc : memref<!tpu.dma_semaphore, #tpu.memory_space<semaphore_mem>>
        %dma_start3A_28 = tpu.memref_slice %arg3[%add3A_20] : memref<327680xi32, #tpu.memory_space<hbm>> -> memref<80xi32, #tpu.memory_space<hbm>>
        %dma_start3A_29 = tpu.memref_slice %arg3[%add3A_20] : memref<327680xi32, #tpu.memory_space<hbm>> -> memref<80xi32, #tpu.memory_space<hbm>>
        tpu.enqueue_dma source(%dma_start3A_29 : memref<80xi32, #tpu.memory_space<hbm>>) target(%arg7 : memref<80xi32, #tpu.memory_space<vmem>>) target_semaphore(%run_scoped3A : memref<!tpu.dma_semaphore, #tpu.memory_space<semaphore_mem>>)
        %dma_wait3A_30 = tpu.memref_slice %arg3[%add3A_20] : memref<327680xi32, #tpu.memory_space<hbm>> -> memref<80xi32, #tpu.memory_space<hbm>>
        %dma_wait3A_31 = tpu.memref_slice %arg3[%add3A_20] : memref<327680xi32, #tpu.memory_space<hbm>> -> memref<80xi32, #tpu.memory_space<hbm>>
        tpu.wait_dma2 semaphore(%run_scoped3A : memref<!tpu.dma_semaphore, #tpu.memory_space<semaphore_mem>>) src(%dma_wait3A_31 : memref<80xi32, #tpu.memory_space<hbm>>) dst(%arg7 : memref<80xi32, #tpu.memory_space<vmem>>)
        tpu.yield
      }) : () -> ()
      %mul3A_21 = arith.constant 80 : i32
      %mul3A_22 = arith.muli %scan3A_17, %mul3A_21 : i32
      %add3A_23 = arith.addi %mul3A_6, %mul3A_22 : i32
      "tpu.region"() ({
        %run_scoped3A = tpu.sem_alloc : memref<!tpu.dma_semaphore, #tpu.memory_space<semaphore_mem>>
        %dma_start3A_28 = tpu.memref_slice %arg4[%add3A_23] : memref<327680xi32, #tpu.memory_space<hbm>> -> memref<80xi32, #tpu.memory_space<hbm>>
        %dma_start3A_29 = tpu.memref_slice %arg4[%add3A_23] : memref<327680xi32, #tpu.memory_space<hbm>> -> memref<80xi32, #tpu.memory_space<hbm>>
        tpu.enqueue_dma source(%dma_start3A_29 : memref<80xi32, #tpu.memory_space<hbm>>) target(%arg8 : memref<80xi32, #tpu.memory_space<vmem>>) target_semaphore(%run_scoped3A : memref<!tpu.dma_semaphore, #tpu.memory_space<semaphore_mem>>)
        %dma_wait3A_30 = tpu.memref_slice %arg4[%add3A_23] : memref<327680xi32, #tpu.memory_space<hbm>> -> memref<80xi32, #tpu.memory_space<hbm>>
        %dma_wait3A_31 = tpu.memref_slice %arg4[%add3A_23] : memref<327680xi32, #tpu.memory_space<hbm>> -> memref<80xi32, #tpu.memory_space<hbm>>
        tpu.wait_dma2 semaphore(%run_scoped3A : memref<!tpu.dma_semaphore, #tpu.memory_space<semaphore_mem>>) src(%dma_wait3A_31 : memref<80xi32, #tpu.memory_space<hbm>>) dst(%arg8 : memref<80xi32, #tpu.memory_space<vmem>>)
        tpu.yield
      }) : () -> ()
      %dma_start3A = arith.constant 0 : i32
      %dma_start3A_24 = arith.constant 0 : i32
      %dma_start3A_25 = tpu.memref_slice %arg2[%dma_start3A, %dma_start3A_24] : memref<10000x128xf32, #tpu.memory_space<hbm>> -> memref<10000x128xf32, #tpu.memory_space<hbm>>
      tpu.enqueue_indirect_dma source(%dma_start3A_25 : memref<10000x128xf32, #tpu.memory_space<hbm>>) target(%arg9 : memref<80x128xf32, #tpu.memory_space<vmem>>) offsets(%arg7 : memref<80xi32, #tpu.memory_space<vmem>>) semaphore(%arg11 : memref<!tpu.dma_semaphore, #tpu.memory_space<semaphore_mem>>)
      %dma_wait3A = arith.constant 0 : i32
      %dma_wait3A_26 = arith.constant 0 : i32
      %dma_wait3A_27 = tpu.memref_slice %arg2[%dma_wait3A, %dma_wait3A_26] : memref<10000x128xf32, #tpu.memory_space<hbm>> -> memref<10000x128xf32, #tpu.memory_space<hbm>>
      tpu.wait_indirect_dma semaphore(%arg11 : memref<!tpu.dma_semaphore, #tpu.memory_space<semaphore_mem>>) src(%dma_wait3A_27 : memref<10000x128xf32, #tpu.memory_space<hbm>>) dst(%arg9 : memref<80x128xf32, #tpu.memory_space<vmem>>)
      "tpu.region"() ({
        %run_scoped3A = tpu.sem_alloc : memref<!tpu.dma_semaphore, #tpu.memory_space<semaphore_mem>>
        %dma_start3A_28 = arith.constant 0 : i32
        %dma_start3A_29 = arith.constant 0 : i32
        %dma_start3A_30 = tpu.memref_slice %arg10[%dma_start3A_28, %dma_start3A_29] : memref<10240x128xf32, #tpu.memory_space<vmem_shared>> -> memref<10240x128xf32, #tpu.memory_space<vmem_shared>>
        tpu.enqueue_indirect_dma source(%arg9 : memref<80x128xf32, #tpu.memory_space<vmem>>) target(%dma_start3A_30 : memref<10240x128xf32, #tpu.memory_space<vmem_shared>>) offsets(%arg8 : memref<80xi32, #tpu.memory_space<vmem>>) semaphore(%run_scoped3A : memref<!tpu.dma_semaphore, #tpu.memory_space<semaphore_mem>>) {add = true}
        %dma_wait3A_31 = arith.constant 0 : i32
        %dma_wait3A_32 = arith.constant 0 : i32
        %dma_wait3A_33 = tpu.memref_slice %arg10[%dma_wait3A_31, %dma_wait3A_32] : memref<10240x128xf32, #tpu.memory_space<vmem_shared>> -> memref<10240x128xf32, #tpu.memory_space<vmem_shared>>
        tpu.wait_indirect_dma semaphore(%run_scoped3A : memref<!tpu.dma_semaphore, #tpu.memory_space<semaphore_mem>>) src(%arg9 : memref<80x128xf32, #tpu.memory_space<vmem>>) dst(%dma_wait3A_33 : memref<10240x128xf32, #tpu.memory_space<vmem_shared>>)
        tpu.yield
      }) : () -> ()
    }
    %scan3A_11 = arith.constant 128 : i32
    %barrier3A_12 = arith.constant 0 : index
    tpu.barrier barrier_id(%barrier3A_12)
    %mul3A_13 = arith.constant 640 : i32
    %mul3A_14 = arith.muli %arg1, %mul3A_13 : i32
    %mul3A_15 = arith.constant 640 : i32
    %mul3A_16 = arith.muli %arg1, %mul3A_15 : i32
    "tpu.region"() ({
      %run_scoped3A = tpu.sem_alloc : memref<!tpu.dma_semaphore, #tpu.memory_space<semaphore_mem>>
      %dma_start3A = arith.constant 0 : i32
      %dma_start3A_17 = tpu.memref_slice %arg6[%arg0, %mul3A_16, %dma_start3A] : memref<2x10240x128xf32, #tpu.memory_space<hbm>> -> memref<1x640x128xf32, #tpu.memory_space<hbm>>
      %dma_start3A_18 = tpu.memref_squeeze %dma_start3A_17 : memref<1x640x128xf32, #tpu.memory_space<hbm>> -> memref<640x128xf32, #tpu.memory_space<hbm>>
      %dma_start3A_19 = arith.constant 0 : i32
      %dma_start3A_20 = tpu.memref_slice %arg10[%mul3A_14, %dma_start3A_19] : memref<10240x128xf32, #tpu.memory_space<vmem_shared>> -> memref<640x128xf32, #tpu.memory_space<vmem_shared>>
      tpu.enqueue_dma source(%dma_start3A_20 : memref<640x128xf32, #tpu.memory_space<vmem_shared>>) target(%dma_start3A_18 : memref<640x128xf32, #tpu.memory_space<hbm>>) target_semaphore(%run_scoped3A : memref<!tpu.dma_semaphore, #tpu.memory_space<semaphore_mem>>)
      %dma_wait3A = arith.constant 0 : i32
      %dma_wait3A_21 = tpu.memref_slice %arg6[%arg0, %mul3A_16, %dma_wait3A] : memref<2x10240x128xf32, #tpu.memory_space<hbm>> -> memref<1x640x128xf32, #tpu.memory_space<hbm>>
      %dma_wait3A_22 = tpu.memref_squeeze %dma_wait3A_21 : memref<1x640x128xf32, #tpu.memory_space<hbm>> -> memref<640x128xf32, #tpu.memory_space<hbm>>
      %dma_wait3A_23 = arith.constant 0 : i32
      %dma_wait3A_24 = tpu.memref_slice %arg10[%mul3A_14, %dma_wait3A_23] : memref<10240x128xf32, #tpu.memory_space<vmem_shared>> -> memref<640x128xf32, #tpu.memory_space<vmem_shared>>
      tpu.wait_dma2 semaphore(%run_scoped3A : memref<!tpu.dma_semaphore, #tpu.memory_space<semaphore_mem>>) src(%dma_wait3A_24 : memref<640x128xf32, #tpu.memory_space<vmem_shared>>) dst(%dma_wait3A_22 : memref<640x128xf32, #tpu.memory_space<hbm>>)
      tpu.yield
    }) : () -> ()
    return
  }
}

#map = affine_map<(d0, d1) -> (0, 0)>
#map1 = affine_map<(d0, d1) -> (0)>
#map2 = affine_map<(d0, d1) -> (0, 0, 0)>
module attributes {stable_mosaic.version = 14 : i64} {
  func.func @_scatter_partials(%arg0: i32, %arg1: i32, %arg2: memref<10000x128xf32, #tpu.memory_space<hbm>>, %arg3: memref<327680xi32, #tpu.memory_space<hbm>>, %arg4: memref<327680xi32, #tpu.memory_space<hbm>>, %arg5: memref<10240x128xf32, #tpu.memory_space<hbm>>, %arg6: memref<2x10240x128xf32, #tpu.memory_space<hbm>>, %arg7: memref<80xi32, #tpu.memory_space<vmem>>, %arg8: memref<80xi32, #tpu.memory_space<vmem>>, %arg9: memref<80x128xf32, #tpu.memory_space<vmem>>, %arg10: memref<10240x128xf32, #tpu.memory_space<vmem_shared>>, %arg11: memref<!tpu.dma_semaphore, #tpu.memory_space<semaphore_mem>>) attributes {dimension_semantics = [#tpu.dimension_semantics<core_parallel>, #tpu.dimension_semantics<subcore_parallel>], iteration_bounds = array<i64: 2, 16>, scalar_prefetch = 0 : i64, scratch_operands = 5 : i64, tpu.core_type = #tpu.core_type<sc_vector_subcore>, window_params = [{transform_indices = #map}, {transform_indices = #map1}, {transform_indices = #map1}, {transform_indices = #map}, {transform_indices = #map2}]} {
    %mul3A = arith.constant 2 : i32
    %mul3A_0 = arith.muli %arg1, %mul3A : i32
    %add3A = arith.addi %mul3A_0, %arg0 : i32
    %mul3A_1 = arith.constant 640 : i32
    %mul3A_2 = arith.muli %arg1, %mul3A_1 : i32
    %mul3A_3 = arith.constant 640 : i32
    %mul3A_4 = arith.muli %arg1, %mul3A_3 : i32
    "tpu.region"() ({
      %run_scoped3A = tpu.sem_alloc : memref<!tpu.dma_semaphore, #tpu.memory_space<semaphore_mem>>
      %dma_start3A = arith.constant 0 : i32
      %dma_start3A_17 = tpu.memref_slice %arg10[%mul3A_4, %dma_start3A] : memref<10240x128xf32, #tpu.memory_space<vmem_shared>> -> memref<640x128xf32, #tpu.memory_space<vmem_shared>>
      %dma_start3A_18 = arith.constant 0 : i32
      %dma_start3A_19 = tpu.memref_slice %arg5[%mul3A_2, %dma_start3A_18] : memref<10240x128xf32, #tpu.memory_space<hbm>> -> memref<640x128xf32, #tpu.memory_space<hbm>>
      tpu.enqueue_dma source(%dma_start3A_19 : memref<640x128xf32, #tpu.memory_space<hbm>>) target(%dma_start3A_17 : memref<640x128xf32, #tpu.memory_space<vmem_shared>>) target_semaphore(%run_scoped3A : memref<!tpu.dma_semaphore, #tpu.memory_space<semaphore_mem>>)
      %dma_wait3A = arith.constant 0 : i32
      %dma_wait3A_20 = tpu.memref_slice %arg10[%mul3A_4, %dma_wait3A] : memref<10240x128xf32, #tpu.memory_space<vmem_shared>> -> memref<640x128xf32, #tpu.memory_space<vmem_shared>>
      %dma_wait3A_21 = arith.constant 0 : i32
      %dma_wait3A_22 = tpu.memref_slice %arg5[%mul3A_2, %dma_wait3A_21] : memref<10240x128xf32, #tpu.memory_space<hbm>> -> memref<640x128xf32, #tpu.memory_space<hbm>>
      tpu.wait_dma2 semaphore(%run_scoped3A : memref<!tpu.dma_semaphore, #tpu.memory_space<semaphore_mem>>) src(%dma_wait3A_22 : memref<640x128xf32, #tpu.memory_space<hbm>>) dst(%dma_wait3A_20 : memref<640x128xf32, #tpu.memory_space<vmem_shared>>)
      tpu.yield
    }) : () -> ()
    %barrier3A = arith.constant 0 : index
    tpu.barrier barrier_id(%barrier3A)
    %mul3A_5 = arith.constant 10240 : i32
    %mul3A_6 = arith.muli %add3A, %mul3A_5 : i32
    %scan3A = arith.constant 0 : i32
    %scan3A_7 = arith.constant 0 : i32
    %scan3A_8 = arith.constant 128 : i32
    %scan3A_9 = arith.addi %scan3A_7, %scan3A_8 : i32
    %scan3A_10 = arith.constant 1 : i32
    scf.for %scan3A_17 = %scan3A_7 to %scan3A_9 step %scan3A_10  : i32 {
      %mul3A_18 = arith.constant 80 : i32
      %mul3A_19 = arith.muli %scan3A_17, %mul3A_18 : i32
      %add3A_20 = arith.addi %mul3A_6, %mul3A_19 : i32
      "tpu.region"() ({
        %run_scoped3A = tpu.sem_alloc : memref<!tpu.dma_semaphore, #tpu.memory_space<semaphore_mem>>
        %dma_start3A_28 = tpu.memref_slice %arg3[%add3A_20] : memref<327680xi32, #tpu.memory_space<hbm>> -> memref<80xi32, #tpu.memory_space<hbm>>
        %dma_start3A_29 = tpu.memref_slice %arg3[%add3A_20] : memref<327680xi32, #tpu.memory_space<hbm>> -> memref<80xi32, #tpu.memory_space<hbm>>
        tpu.enqueue_dma source(%dma_start3A_29 : memref<80xi32, #tpu.memory_space<hbm>>) target(%arg7 : memref<80xi32, #tpu.memory_space<vmem>>) target_semaphore(%run_scoped3A : memref<!tpu.dma_semaphore, #tpu.memory_space<semaphore_mem>>)
        %dma_wait3A_30 = tpu.memref_slice %arg3[%add3A_20] : memref<327680xi32, #tpu.memory_space<hbm>> -> memref<80xi32, #tpu.memory_space<hbm>>
        %dma_wait3A_31 = tpu.memref_slice %arg3[%add3A_20] : memref<327680xi32, #tpu.memory_space<hbm>> -> memref<80xi32, #tpu.memory_space<hbm>>
        tpu.wait_dma2 semaphore(%run_scoped3A : memref<!tpu.dma_semaphore, #tpu.memory_space<semaphore_mem>>) src(%dma_wait3A_31 : memref<80xi32, #tpu.memory_space<hbm>>) dst(%arg7 : memref<80xi32, #tpu.memory_space<vmem>>)
        tpu.yield
      }) : () -> ()
      %mul3A_21 = arith.constant 80 : i32
      %mul3A_22 = arith.muli %scan3A_17, %mul3A_21 : i32
      %add3A_23 = arith.addi %mul3A_6, %mul3A_22 : i32
      "tpu.region"() ({
        %run_scoped3A = tpu.sem_alloc : memref<!tpu.dma_semaphore, #tpu.memory_space<semaphore_mem>>
        %dma_start3A_28 = tpu.memref_slice %arg4[%add3A_23] : memref<327680xi32, #tpu.memory_space<hbm>> -> memref<80xi32, #tpu.memory_space<hbm>>
        %dma_start3A_29 = tpu.memref_slice %arg4[%add3A_23] : memref<327680xi32, #tpu.memory_space<hbm>> -> memref<80xi32, #tpu.memory_space<hbm>>
        tpu.enqueue_dma source(%dma_start3A_29 : memref<80xi32, #tpu.memory_space<hbm>>) target(%arg8 : memref<80xi32, #tpu.memory_space<vmem>>) target_semaphore(%run_scoped3A : memref<!tpu.dma_semaphore, #tpu.memory_space<semaphore_mem>>)
        %dma_wait3A_30 = tpu.memref_slice %arg4[%add3A_23] : memref<327680xi32, #tpu.memory_space<hbm>> -> memref<80xi32, #tpu.memory_space<hbm>>
        %dma_wait3A_31 = tpu.memref_slice %arg4[%add3A_23] : memref<327680xi32, #tpu.memory_space<hbm>> -> memref<80xi32, #tpu.memory_space<hbm>>
        tpu.wait_dma2 semaphore(%run_scoped3A : memref<!tpu.dma_semaphore, #tpu.memory_space<semaphore_mem>>) src(%dma_wait3A_31 : memref<80xi32, #tpu.memory_space<hbm>>) dst(%arg8 : memref<80xi32, #tpu.memory_space<vmem>>)
        tpu.yield
      }) : () -> ()
      %dma_start3A = arith.constant 0 : i32
      %dma_start3A_24 = arith.constant 0 : i32
      %dma_start3A_25 = tpu.memref_slice %arg2[%dma_start3A, %dma_start3A_24] : memref<10000x128xf32, #tpu.memory_space<hbm>> -> memref<10000x128xf32, #tpu.memory_space<hbm>>
      tpu.enqueue_indirect_dma source(%dma_start3A_25 : memref<10000x128xf32, #tpu.memory_space<hbm>>) target(%arg9 : memref<80x128xf32, #tpu.memory_space<vmem>>) offsets(%arg7 : memref<80xi32, #tpu.memory_space<vmem>>) semaphore(%arg11 : memref<!tpu.dma_semaphore, #tpu.memory_space<semaphore_mem>>)
      %dma_wait3A = arith.constant 0 : i32
      %dma_wait3A_26 = arith.constant 0 : i32
      %dma_wait3A_27 = tpu.memref_slice %arg2[%dma_wait3A, %dma_wait3A_26] : memref<10000x128xf32, #tpu.memory_space<hbm>> -> memref<10000x128xf32, #tpu.memory_space<hbm>>
      tpu.wait_indirect_dma semaphore(%arg11 : memref<!tpu.dma_semaphore, #tpu.memory_space<semaphore_mem>>) src(%dma_wait3A_27 : memref<10000x128xf32, #tpu.memory_space<hbm>>) dst(%arg9 : memref<80x128xf32, #tpu.memory_space<vmem>>)
      "tpu.region"() ({
        %run_scoped3A = tpu.sem_alloc : memref<!tpu.dma_semaphore, #tpu.memory_space<semaphore_mem>>
        %dma_start3A_28 = arith.constant 0 : i32
        %dma_start3A_29 = arith.constant 0 : i32
        %dma_start3A_30 = tpu.memref_slice %arg10[%dma_start3A_28, %dma_start3A_29] : memref<10240x128xf32, #tpu.memory_space<vmem_shared>> -> memref<10240x128xf32, #tpu.memory_space<vmem_shared>>
        tpu.enqueue_indirect_dma source(%arg9 : memref<80x128xf32, #tpu.memory_space<vmem>>) target(%dma_start3A_30 : memref<10240x128xf32, #tpu.memory_space<vmem_shared>>) offsets(%arg8 : memref<80xi32, #tpu.memory_space<vmem>>) semaphore(%run_scoped3A : memref<!tpu.dma_semaphore, #tpu.memory_space<semaphore_mem>>) {add = true}
        %dma_wait3A_31 = arith.constant 0 : i32
        %dma_wait3A_32 = arith.constant 0 : i32
        %dma_wait3A_33 = tpu.memref_slice %arg10[%dma_wait3A_31, %dma_wait3A_32] : memref<10240x128xf32, #tpu.memory_space<vmem_shared>> -> memref<10240x128xf32, #tpu.memory_space<vmem_shared>>
        tpu.wait_indirect_dma semaphore(%run_scoped3A : memref<!tpu.dma_semaphore, #tpu.memory_space<semaphore_mem>>) src(%arg9 : memref<80x128xf32, #tpu.memory_space<vmem>>) dst(%dma_wait3A_33 : memref<10240x128xf32, #tpu.memory_space<vmem_shared>>)
        tpu.yield
      }) : () -> ()
    }
    %scan3A_11 = arith.constant 128 : i32
    %barrier3A_12 = arith.constant 0 : index
    tpu.barrier barrier_id(%barrier3A_12)
    %mul3A_13 = arith.constant 640 : i32
    %mul3A_14 = arith.muli %arg1, %mul3A_13 : i32
    %mul3A_15 = arith.constant 640 : i32
    %mul3A_16 = arith.muli %arg1, %mul3A_15 : i32
    "tpu.region"() ({
      %run_scoped3A = tpu.sem_alloc : memref<!tpu.dma_semaphore, #tpu.memory_space<semaphore_mem>>
      %dma_start3A = arith.constant 0 : i32
      %dma_start3A_17 = tpu.memref_slice %arg6[%arg0, %mul3A_16, %dma_start3A] : memref<2x10240x128xf32, #tpu.memory_space<hbm>> -> memref<1x640x128xf32, #tpu.memory_space<hbm>>
      %dma_start3A_18 = tpu.memref_squeeze %dma_start3A_17 : memref<1x640x128xf32, #tpu.memory_space<hbm>> -> memref<640x128xf32, #tpu.memory_space<hbm>>
      %dma_start3A_19 = arith.constant 0 : i32
      %dma_start3A_20 = tpu.memref_slice %arg10[%mul3A_14, %dma_start3A_19] : memref<10240x128xf32, #tpu.memory_space<vmem_shared>> -> memref<640x128xf32, #tpu.memory_space<vmem_shared>>
      tpu.enqueue_dma source(%dma_start3A_20 : memref<640x128xf32, #tpu.memory_space<vmem_shared>>) target(%dma_start3A_18 : memref<640x128xf32, #tpu.memory_space<hbm>>) target_semaphore(%run_scoped3A : memref<!tpu.dma_semaphore, #tpu.memory_space<semaphore_mem>>)
      %dma_wait3A = arith.constant 0 : i32
      %dma_wait3A_21 = tpu.memref_slice %arg6[%arg0, %mul3A_16, %dma_wait3A] : memref<2x10240x128xf32, #tpu.memory_space<hbm>> -> memref<1x640x128xf32, #tpu.memory_space<hbm>>
      %dma_wait3A_22 = tpu.memref_squeeze %dma_wait3A_21 : memref<1x640x128xf32, #tpu.memory_space<hbm>> -> memref<640x128xf32, #tpu.memory_space<hbm>>
      %dma_wait3A_23 = arith.constant 0 : i32
      %dma_wait3A_24 = tpu.memref_slice %arg10[%mul3A_14, %dma_wait3A_23] : memref<10240x128xf32, #tpu.memory_space<vmem_shared>> -> memref<640x128xf32, #tpu.memory_space<vmem_shared>>
      tpu.wait_dma2 semaphore(%run_scoped3A : memref<!tpu.dma_semaphore, #tpu.memory_space<semaphore_mem>>) src(%dma_wait3A_24 : memref<640x128xf32, #tpu.memory_space<vmem_shared>>) dst(%dma_wait3A_22 : memref<640x128xf32, #tpu.memory_space<hbm>>)
      tpu.yield
    }) : () -> ()
    return
  }
}

module attributes {stable_mosaic.version = 14 : i64} {
  func.func @_tcb_body(%arg0: i32, %arg1: memref<1000x2xf32, #tpu.memory_space<vmem>>, %arg2: memref<1000x128xf32, #tpu.memory_space<vmem>>, %arg3: memref<128x128xf32, #tpu.memory_space<vmem>>, %arg4: memref<1000x128xf32, #tpu.memory_space<vmem>>, %arg5: memref<1000x128xf32, #tpu.memory_space<vmem>>) attributes {dimension_semantics = [#tpu.dimension_semantics<arbitrary>], iteration_bounds = array<i64: 10>, scalar_prefetch = 0 : i64, scratch_operands = 0 : i64, tpu.core_type = #tpu.core_type<tc>, window_params = [{transform_indices = @transform_0, window_bounds = array<i64: 1000, 2>}, {transform_indices = @transform_1, window_bounds = array<i64: 1000, 128>}, {pipeline_mode = #tpu.pipeline_mode<synchronous>, transform_indices = @transform_2, window_bounds = array<i64: 128, 128>}, {transform_indices = @transform_3, window_bounds = array<i64: 1000, 128>}, {transform_indices = @transform_4, window_bounds = array<i64: 1000, 128>}]} {
    %get3A = arith.constant 0 : index
    %get3A_0 = arith.constant 0 : index
    %get3A_1 = vector.load %arg1[%get3A, %get3A_0] : memref<1000x2xf32, #tpu.memory_space<vmem>>, vector<1000x2xf32>
    %slice3A = vector.extract_strided_slice %get3A_1 {offsets = [0, 0], sizes = [1000, 1], strides = [1, 1]} : vector<1000x2xf32> to vector<1000x1xf32>
    %slice3A_2 = vector.extract_strided_slice %get3A_1 {offsets = [0, 1], sizes = [1000, 1], strides = [1, 1]} : vector<1000x2xf32> to vector<1000x1xf32>
    %add3A = arith.addf %slice3A, %slice3A_2 : vector<1000x1xf32>
    %add3A_3 = arith.constant 1.000000e+00 : f32
    %add3A_4 = vector.broadcast %add3A_3 : f32 to vector<1000x1xf32>
    %add3A_5 = arith.addf %add3A, %add3A_4 : vector<1000x1xf32>
    %rsqrt3A = math.rsqrt %add3A_5 : vector<1000x1xf32>
    %get3A_6 = arith.constant 0 : index
    %get3A_7 = arith.constant 0 : index
    %get3A_8 = vector.load %arg2[%get3A_6, %get3A_7] : memref<1000x128xf32, #tpu.memory_space<vmem>>, vector<1000x128xf32>
    %get3A_9 = arith.constant 0 : index
    %get3A_10 = arith.constant 0 : index
    %get3A_11 = vector.load %arg3[%get3A_9, %get3A_10] : memref<128x128xf32, #tpu.memory_space<vmem>>, vector<128x128xf32>
    %dot_general3A = arith.constant dense<0.000000e+00> : vector<1000x128xf32>
    %dot_general3A_12 = tpu.matmul %get3A_8, %get3A_11, %dot_general3A {dimension_numbers = #tpu.dot_dimension_numbers<[1], [0], [0], [1], [0, 0, 1, 1], [], []>, transpose_lhs_hint = false} : vector<1000x128xf32>, vector<128x128xf32>, vector<1000x128xf32> -> vector<1000x128xf32>
    %mul3A = vector.broadcast %rsqrt3A : vector<1000x1xf32> to vector<1000x128xf32>
    %mul3A_13 = arith.mulf %mul3A, %dot_general3A_12 : vector<1000x128xf32>
    %swap3A = arith.constant 0 : index
    %swap3A_14 = arith.constant 0 : index
    %swap3A_15 = vector.load %arg4[%swap3A, %swap3A_14] : memref<1000x128xf32, #tpu.memory_space<vmem>>, vector<1000x128xf32>
    tpu.vector_store %arg4[%swap3A, %swap3A_14], %mul3A_13 {strides = array<i32>} : memref<1000x128xf32, #tpu.memory_space<vmem>>, vector<1000x128xf32>,
    %broadcast_in_dim3A = vector.shape_cast %rsqrt3A : vector<1000x1xf32> to vector<1000x1xf32>
    %broadcast_in_dim3A_16 = vector.broadcast %broadcast_in_dim3A : vector<1000x1xf32> to vector<1000x128xf32>
    %swap3A_17 = arith.constant 0 : index
    %swap3A_18 = arith.constant 0 : index
    %swap3A_19 = vector.load %arg5[%swap3A_17, %swap3A_18] : memref<1000x128xf32, #tpu.memory_space<vmem>>, vector<1000x128xf32>
    tpu.vector_store %arg5[%swap3A_17, %swap3A_18], %broadcast_in_dim3A_16 {strides = array<i32>} : memref<1000x128xf32, #tpu.memory_space<vmem>>, vector<1000x128xf32>,
    return
  }
  func.func @transform_0(%arg0: i32) -> (i32, i32) {
    %c0_i32 = arith.constant 0 : i32
    %c0_i32_0 = arith.constant 0 : i32
    return %arg0, %c0_i32 : i32, i32
  }
  func.func @transform_1(%arg0: i32) -> (i32, i32) {
    %c0_i32 = arith.constant 0 : i32
    %c0_i32_0 = arith.constant 0 : i32
    return %arg0, %c0_i32 : i32, i32
  }
  func.func @transform_2(%arg0: i32) -> (i32, i32) {
    %c0_i32 = arith.constant 0 : i32
    %c0_i32_0 = arith.constant 0 : i32
    %c0_i32_1 = arith.constant 0 : i32
    return %c0_i32, %c0_i32_0 : i32, i32
  }
  func.func @transform_3(%arg0: i32) -> (i32, i32) {
    %c0_i32 = arith.constant 0 : i32
    %c0_i32_0 = arith.constant 0 : i32
    return %arg0, %c0_i32 : i32, i32
  }
  func.func @transform_4(%arg0: i32) -> (i32, i32) {
    %c0_i32 = arith.constant 0 : i32
    %c0_i32_0 = arith.constant 0 : i32
    return %arg0, %c0_i32 : i32, i32
  }
}

module attributes {stable_mosaic.version = 14 : i64} {
  func.func @_tcd_body(%arg0: i32, %arg1: memref<1000x128xf32, #tpu.memory_space<vmem>>, %arg2: memref<1000x128xf32, #tpu.memory_space<vmem>>, %arg3: memref<1000x128xf32, #tpu.memory_space<vmem>>, %arg4: memref<1000x128xf32, #tpu.memory_space<vmem>>, %arg5: memref<1x128xf32, #tpu.memory_space<vmem>>, %arg6: memref<128x128xf32, #tpu.memory_space<vmem>>, %arg7: memref<1000x128xf32, #tpu.memory_space<vmem>>) attributes {dimension_semantics = [#tpu.dimension_semantics<arbitrary>], iteration_bounds = array<i64: 10>, scalar_prefetch = 0 : i64, scratch_operands = 0 : i64, tpu.core_type = #tpu.core_type<tc>, window_params = [{transform_indices = @transform_0, window_bounds = array<i64: 1000, 128>}, {transform_indices = @transform_1, window_bounds = array<i64: 1000, 128>}, {transform_indices = @transform_2, window_bounds = array<i64: 1000, 128>}, {transform_indices = @transform_3, window_bounds = array<i64: 1000, 128>}, {pipeline_mode = #tpu.pipeline_mode<synchronous>, transform_indices = @transform_4, window_bounds = array<i64: 1, 128>}, {pipeline_mode = #tpu.pipeline_mode<synchronous>, transform_indices = @transform_5, window_bounds = array<i64: 128, 128>}, {transform_indices = @transform_6, window_bounds = array<i64: 1000, 128>}]} {
    %get3A = arith.constant 0 : index
    %get3A_0 = arith.constant 0 : index
    %get3A_1 = vector.load %arg4[%get3A, %get3A_0] : memref<1000x128xf32, #tpu.memory_space<vmem>>, vector<1000x128xf32>
    %get3A_2 = arith.constant 0 : index
    %get3A_3 = arith.constant 0 : index
    %get3A_4 = vector.load %arg1[%get3A_2, %get3A_3] : memref<1000x128xf32, #tpu.memory_space<vmem>>, vector<1000x128xf32>
    %get3A_5 = arith.constant 0 : index
    %get3A_6 = arith.constant 0 : index
    %get3A_7 = vector.load %arg2[%get3A_5, %get3A_6] : memref<1000x128xf32, #tpu.memory_space<vmem>>, vector<1000x128xf32>
    %add3A = arith.addf %get3A_4, %get3A_7 : vector<1000x128xf32>
    %get3A_8 = arith.constant 0 : index
    %get3A_9 = arith.constant 0 : index
    %get3A_10 = vector.load %arg3[%get3A_8, %get3A_9] : memref<1000x128xf32, #tpu.memory_space<vmem>>, vector<1000x128xf32>
    %add3A_11 = arith.addf %add3A, %get3A_10 : vector<1000x128xf32>
    %mul3A = arith.mulf %get3A_1, %add3A_11 : vector<1000x128xf32>
    %get3A_12 = arith.constant 0 : index
    %get3A_13 = arith.constant 0 : index
    %get3A_14 = vector.load %arg5[%get3A_12, %get3A_13] : memref<1x128xf32, #tpu.memory_space<vmem>>, vector<1x128xf32>
    %add3A_15 = vector.broadcast %get3A_14 : vector<1x128xf32> to vector<1000x128xf32>
    %add3A_16 = arith.addf %mul3A, %add3A_15 : vector<1000x128xf32>
    %tanh3A = math.tanh %add3A_16 : vector<1000x128xf32>
    %get3A_17 = arith.constant 0 : index
    %get3A_18 = arith.constant 0 : index
    %get3A_19 = vector.load %arg6[%get3A_17, %get3A_18] : memref<128x128xf32, #tpu.memory_space<vmem>>, vector<128x128xf32>
    %dot_general3A = arith.constant dense<0.000000e+00> : vector<1000x128xf32>
    %dot_general3A_20 = tpu.matmul %tanh3A, %get3A_19, %dot_general3A {dimension_numbers = #tpu.dot_dimension_numbers<[1], [0], [0], [1], [0, 0, 1, 1], [], []>, transpose_lhs_hint = false} : vector<1000x128xf32>, vector<128x128xf32>, vector<1000x128xf32> -> vector<1000x128xf32>
    %mul3A_21 = arith.mulf %get3A_1, %dot_general3A_20 : vector<1000x128xf32>
    %swap3A = arith.constant 0 : index
    %swap3A_22 = arith.constant 0 : index
    %swap3A_23 = vector.load %arg7[%swap3A, %swap3A_22] : memref<1000x128xf32, #tpu.memory_space<vmem>>, vector<1000x128xf32>
    tpu.vector_store %arg7[%swap3A, %swap3A_22], %mul3A_21 {strides = array<i32>} : memref<1000x128xf32, #tpu.memory_space<vmem>>, vector<1000x128xf32>,
    return
  }
  func.func @transform_0(%arg0: i32) -> (i32, i32) {
    %c0_i32 = arith.constant 0 : i32
    %c0_i32_0 = arith.constant 0 : i32
    return %arg0, %c0_i32 : i32, i32
  }
  func.func @transform_1(%arg0: i32) -> (i32, i32) {
    %c0_i32 = arith.constant 0 : i32
    %c0_i32_0 = arith.constant 0 : i32
    return %arg0, %c0_i32 : i32, i32
  }
  func.func @transform_2(%arg0: i32) -> (i32, i32) {
    %c0_i32 = arith.constant 0 : i32
    %c0_i32_0 = arith.constant 0 : i32
    return %arg0, %c0_i32 : i32, i32
  }
  func.func @transform_3(%arg0: i32) -> (i32, i32) {
    %c0_i32 = arith.constant 0 : i32
    %c0_i32_0 = arith.constant 0 : i32
    return %arg0, %c0_i32 : i32, i32
  }
  func.func @transform_4(%arg0: i32) -> (i32, i32) {
    %c0_i32 = arith.constant 0 : i32
    %c0_i32_0 = arith.constant 0 : i32
    %c0_i32_1 = arith.constant 0 : i32
    return %c0_i32, %c0_i32_0 : i32, i32
  }
  func.func @transform_5(%arg0: i32) -> (i32, i32) {
    %c0_i32 = arith.constant 0 : i32
    %c0_i32_0 = arith.constant 0 : i32
    %c0_i32_1 = arith.constant 0 : i32
    return %c0_i32, %c0_i32_0 : i32, i32
  }
  func.func @transform_6(%arg0: i32) -> (i32, i32) {
    %c0_i32 = arith.constant 0 : i32
    %c0_i32_0 = arith.constant 0 : i32
    return %arg0, %c0_i32 : i32, i32
  }
}

module attributes {stable_mosaic.version = 14 : i64} {
  func.func @_tcf_body(%arg0: i32, %arg1: memref<1000x128xf32, #tpu.memory_space<vmem>>, %arg2: memref<1000x128xf32, #tpu.memory_space<vmem>>, %arg3: memref<1000x128xf32, #tpu.memory_space<vmem>>, %arg4: memref<1000x128xf32, #tpu.memory_space<vmem>>, %arg5: memref<1x128xf32, #tpu.memory_space<vmem>>, %arg6: memref<1000x128xf32, #tpu.memory_space<vmem>>) attributes {dimension_semantics = [#tpu.dimension_semantics<arbitrary>], iteration_bounds = array<i64: 10>, scalar_prefetch = 0 : i64, scratch_operands = 0 : i64, tpu.core_type = #tpu.core_type<tc>, window_params = [{transform_indices = @transform_0, window_bounds = array<i64: 1000, 128>}, {transform_indices = @transform_1, window_bounds = array<i64: 1000, 128>}, {transform_indices = @transform_2, window_bounds = array<i64: 1000, 128>}, {transform_indices = @transform_3, window_bounds = array<i64: 1000, 128>}, {pipeline_mode = #tpu.pipeline_mode<synchronous>, transform_indices = @transform_4, window_bounds = array<i64: 1, 128>}, {transform_indices = @transform_5, window_bounds = array<i64: 1000, 128>}]} {
    %get3A = arith.constant 0 : index
    %get3A_0 = arith.constant 0 : index
    %get3A_1 = vector.load %arg4[%get3A, %get3A_0] : memref<1000x128xf32, #tpu.memory_space<vmem>>, vector<1000x128xf32>
    %get3A_2 = arith.constant 0 : index
    %get3A_3 = arith.constant 0 : index
    %get3A_4 = vector.load %arg1[%get3A_2, %get3A_3] : memref<1000x128xf32, #tpu.memory_space<vmem>>, vector<1000x128xf32>
    %get3A_5 = arith.constant 0 : index
    %get3A_6 = arith.constant 0 : index
    %get3A_7 = vector.load %arg2[%get3A_5, %get3A_6] : memref<1000x128xf32, #tpu.memory_space<vmem>>, vector<1000x128xf32>
    %add3A = arith.addf %get3A_4, %get3A_7 : vector<1000x128xf32>
    %get3A_8 = arith.constant 0 : index
    %get3A_9 = arith.constant 0 : index
    %get3A_10 = vector.load %arg3[%get3A_8, %get3A_9] : memref<1000x128xf32, #tpu.memory_space<vmem>>, vector<1000x128xf32>
    %add3A_11 = arith.addf %add3A, %get3A_10 : vector<1000x128xf32>
    %mul3A = arith.mulf %get3A_1, %add3A_11 : vector<1000x128xf32>
    %get3A_12 = arith.constant 0 : index
    %get3A_13 = arith.constant 0 : index
    %get3A_14 = vector.load %arg5[%get3A_12, %get3A_13] : memref<1x128xf32, #tpu.memory_space<vmem>>, vector<1x128xf32>
    %add3A_15 = vector.broadcast %get3A_14 : vector<1x128xf32> to vector<1000x128xf32>
    %add3A_16 = arith.addf %mul3A, %add3A_15 : vector<1000x128xf32>
    %swap3A = arith.constant 0 : index
    %swap3A_17 = arith.constant 0 : index
    %swap3A_18 = vector.load %arg6[%swap3A, %swap3A_17] : memref<1000x128xf32, #tpu.memory_space<vmem>>, vector<1000x128xf32>
    tpu.vector_store %arg6[%swap3A, %swap3A_17], %add3A_16 {strides = array<i32>} : memref<1000x128xf32, #tpu.memory_space<vmem>>, vector<1000x128xf32>,
    return
  }
  func.func @transform_0(%arg0: i32) -> (i32, i32) {
    %c0_i32 = arith.constant 0 : i32
    %c0_i32_0 = arith.constant 0 : i32
    return %arg0, %c0_i32 : i32, i32
  }
  func.func @transform_1(%arg0: i32) -> (i32, i32) {
    %c0_i32 = arith.constant 0 : i32
    %c0_i32_0 = arith.constant 0 : i32
    return %arg0, %c0_i32 : i32, i32
  }
  func.func @transform_2(%arg0: i32) -> (i32, i32) {
    %c0_i32 = arith.constant 0 : i32
    %c0_i32_0 = arith.constant 0 : i32
    return %arg0, %c0_i32 : i32, i32
  }
  func.func @transform_3(%arg0: i32) -> (i32, i32) {
    %c0_i32 = arith.constant 0 : i32
    %c0_i32_0 = arith.constant 0 : i32
    return %arg0, %c0_i32 : i32, i32
  }
  func.func @transform_4(%arg0: i32) -> (i32, i32) {
    %c0_i32 = arith.constant 0 : i32
    %c0_i32_0 = arith.constant 0 : i32
    %c0_i32_1 = arith.constant 0 : i32
    return %c0_i32, %c0_i32_0 : i32, i32
  }
  func.func @transform_5(%arg0: i32) -> (i32, i32) {
    %c0_i32 = arith.constant 0 : i32
    %c0_i32_0 = arith.constant 0 : i32
    return %arg0, %c0_i32 : i32, i32
  }
}

</mosaic_0001>

<sc_bundles>
// kernel: kernel.11.cloned.1.call-start
scs
__scs_entry_jumppad:
0x0: {  	(pc) =	sbr.rel $0x88, $3  }
0x1: {  	(tag) =	ssettag $0x0;
	lr =	simm.s32 $0x1  }
0x2: {  	[smem:$0x3F9B] =	sst lr;
	_ =	strace $0xD0000000  }
0x3: {  	_ = 	snop  }
0x4: {  	_ = 	snop  }
0x5: {  	_ = 	snop  }
0x6: {  	_ = 	snop  }
0x7: {  	_ = 	snop  }
__scs_overlays_trampoline_lowered:
0x8: {  	[smem:$0x3FAA] =	sst s0  }
0x9: {  	[smem:$0x3FAB] =	sst s1  }
0xa: {  	[smem:$0x3FAC] =	sst s2  }
0xb: {  	[smem:$0x3FAD] =	sst s3  }
0xc: {  	[smem:$0x3FAE] =	sst s4  }
0xd: {  	[smem:$0x3FAF] =	sst s5  }
0xe: {  	[smem:$0x3FB0] =	sst s6  }
0xf: {  	[smem:$0x3FB1] =	sst s7  }
0x10: {  	[smem:$0x3FB2] =	sst s8  }
0x11: {  	[smem:$0x3FB3] =	sst s9;
	s0 =	simm.s32 @!p0 $0x0  }
0x12: {  	s1 =	sld [smem:$0x3F99];
	s0 =	simm.s32 @p0 $0x1  }
0x13: {  	[smem:$0x3FB4] =	sst s0;
	s0 =	simm.s32 @!p1 $0x0  }
0x14: {  	s2 =	sld [smem:$0x3F98];
	s0 =	simm.s32 @p1 $0x1  }
0x15: {  	[smem:$0x3FB5] =	sst s0;
	s0 =	simm.s32 @!p2 $0x0  }
0x16: {  	s3 =	sld [smem:$0x3FDB];
	s0 =	simm.s32 @p2 $0x1  }
0x17: {  	s4 =	simm.s32 $0x1BF5;
	[smem:$0x3FB7] =	sst s0  }
0x18: {  	s0 =	sld [smem:$0x3F9A];
	_ =	swait.ge [sflag:s4], $0x0  }
0x19: {  	s7 =	sld [smem:$0x3F9B]  }
0x1a: {  	s8 =	sadd.s32 $0xFFFFE003, lr  }
0x1b: {  	s9 =	sadd.s32 $0xFFFFFEF7, lr;
	s5 =	simm.s32 $0xFFFFFFFF;
	p2 =	slt.u32 s8, $0xFFFFF086  }
0x1c: {  	p1 =	slt.u32 s9, $0xF7A;
	s5 =	simm.s32 @!p2 $0x0  }
0x1d: {  	s5 =	simm.s32 @p1 $0x1;
	p0 =	seq.s32 s7, s2  }
0x1e: {  	s7 =	smul.u32 @!p0 $0xF7A, s2;
	p2 =	seq.s32 @!p0 s5, $0x0  }
0x1f: {  	s9 =	smul.u32 $0xF7A, s1;
	s8 =	simm.s32 @!p0 $0x1BF5;
	p2 =	por !p2, p0  }
0x20: {  	[sflag:s8] =	ssyncset.s32 @!p0 $0xFFFFF086;
	s6 =	sadd.s32 @!p0 s3, s7;
	s7 =	simm.s32 @!p0 $0x108  }
0x21: {  	s3 =	sadd.s32 s3, s9;
	s6 =	sadd.s32 @!p0 $0x88, s6;
	s7 =	simm.s32 @p2 $0x1082  }
0x22: {  	[simem:s7], [sflag:s8] =	dma.local @!p0 [hbm:s6], $0xF7A  }
0x23: {  	s9 =	sor.u32 $0xD0000000, s2;
	s6 =	simm.s32 $0x108;
	_ =	swait.ge @!p0 [sflag:s8], $0x0  }
0x24: {  	s3 =	sadd.s32 $0x88, s3;
	s6 =	simm.s32 @!p1 $0x1082;
	[sflag:s4] =	ssyncset.s32 $0xFFFFF086  }
0x25: {  	[simem:s6], [sflag:s4] =	dma.local [hbm:s3], $0xF7A  }
0x26: {  	[smem:$0x3F9B] =	sst s1;
	(tag) =	ssettag s2;
	_ =	strace s9  }
0x27: {  	s1 =	sld [smem:$0x3FAB]  }
0x28: {  	s2 =	sld [smem:$0x3FAC]  }
0x29: {  	s4 =	sld [smem:$0x3FAE]  }
0x2a: {  	p0 =	seq.s32 s5, $0x0;
	s5 =	sld [smem:$0x3FAF]  }
0x2b: {  	s6 =	sld [smem:$0x3FB0]  }
0x2c: {  	s7 =	sld [smem:$0x3FB1]  }
0x2d: {  	s3 =	simm.s32 $0x108;
	s8 =	sld [smem:$0x3FB2]  }
0x2e: {  	s3 =	simm.s32 @!p0 $0x1082;
	s9 =	sld [smem:$0x3FB3]  }
0x2f: {  	lr =	sadd.s32 s0, s3;
	s0 =	sld [smem:$0x3FAA]  }
0x30: {  	s3 =	sld [smem:$0x3FAD]  }
0x31: {  	[smem:$0x3FB6] =	sst s10  }
0x32: {  	s10 =	sld [smem:$0x3FB4];
	_ =	sdelay $0x3  }
0x33: {  	p0 =	seq.s32 s10, $0x1;
	s10 =	sld [smem:$0x3FB6];
	_ =	sdelay $0x3  }
0x34: {  	[smem:$0x3FB6] =	sst s10  }
0x35: {  	s10 =	sld [smem:$0x3FB5];
	_ =	sdelay $0x3  }
0x36: {  	p1 =	seq.s32 s10, $0x1;
	s10 =	sld [smem:$0x3FB6];
	_ =	sdelay $0x3  }
0x37: {  	[smem:$0x3FB6] =	sst s10  }
0x38: {  	s10 =	sld [smem:$0x3FB7]  }
0x39: {  	_ = 	snop;
	(pc) =	sbr.ind lr, $3  }
0x3a: {  	_ = 	snop  }
0x3b: {  	_ = 	snop  }
0x3c: {  	p2 =	seq.s32 s10, $0x1;
	s10 =	sld [smem:$0x3FB6]  }
0x3d: {  	_ =	shalt  }
0x3e: {  	_ =	shalt  }
0x3f: {  	_ =	shalt  }
0x40: {  	_ =	shalt  }
0x41: {  	_ =	shalt  }
0x42: {  	_ =	shalt  }
0x43: {  	_ =	shalt  }
0x44: {  	_ =	shalt  }
0x45: {  	_ =	shalt  }
0x46: {  	_ =	shalt  }
0x47: {  	_ =	shalt  }
0x48: {  	_ =	shalt  }
0x49: {  	_ =	shalt  }
0x4a: {  	_ =	shalt  }
0x4b: {  	_ =	shalt  }
0x4c: {  	_ =	shalt  }
0x4d: {  	_ =	shalt  }
0x4e: {  	_ =	shalt  }
0x4f: {  	_ =	shalt  }
0x50: {  	_ =	shalt  }
0x51: {  	_ =	shalt  }
0x52: {  	_ =	shalt  }
0x53: {  	_ =	shalt  }
0x54: {  	_ =	shalt  }
0x55: {  	_ =	shalt  }
0x56: {  	_ =	shalt  }
0x57: {  	_ =	shalt  }
0x58: {  	_ =	shalt  }
0x59: {  	_ =	shalt  }
0x5a: {  	_ =	shalt  }
0x5b: {  	_ =	shalt  }
0x5c: {  	_ =	shalt  }
0x5d: {  	_ =	shalt  }
0x5e: {  	_ =	shalt  }
0x5f: {  	_ =	shalt  }
0x60: {  	_ =	shalt  }
0x61: {  	_ =	shalt  }
0x62: {  	_ =	shalt  }
0x63: {  	_ =	shalt  }
0x64: {  	_ =	shalt  }
0x65: {  	_ =	shalt  }
0x66: {  	_ =	shalt  }
0x67: {  	_ =	shalt  }
0x68: {  	_ =	shalt  }
0x69: {  	_ =	shalt  }
0x6a: {  	_ =	shalt  }
0x6b: {  	_ =	shalt  }
0x6c: {  	_ =	shalt  }
0x6d: {  	_ =	shalt  }
0x6e: {  	_ =	shalt  }
0x6f: {  	_ =	shalt  }
0x70: {  	_ =	shalt  }
0x71: {  	_ =	shalt  }
0x72: {  	_ =	shalt  }
0x73: {  	_ =	shalt  }
0x74: {  	_ =	shalt  }
0x75: {  	_ =	shalt  }
0x76: {  	_ =	shalt  }
0x77: {  	_ =	shalt  }
0x78: {  	_ =	shalt  }
0x79: {  	_ =	shalt  }
0x7a: {  	_ =	shalt  }
0x7b: {  	_ =	shalt  }
0x7c: {  	_ =	shalt  }
0x7d: {  	_ =	shalt  }
0x7e: {  	_ =	shalt  }
0x7f: {  	_ =	shalt  }
0x80: {  	_ =	shalt  }
0x81: {  	_ =	shalt  }
0x82: {  	_ =	shalt  }
0x83: {  	_ =	shalt  }
0x84: {  	_ =	shalt  }
0x85: {  	_ =	shalt  }
0x86: {  	_ =	shalt  }
0x87: {  	_ =	shalt  }
.Lfunc_end0:
.L_simem_size_0:
called_computation.1_lowered:
.L_overlay_start_0:
0x88: {  	s2 =	sld [smem:$0x3FD9]  }
0x89: {  	s3 =	sld [smem:$0x3FFE];
	_ =	sdelay $0x1  }
0x8a: {  	s1 =	srdreg.scid  }
0x8b: {  	s0 =	sand.u32 $0x1, s1  }
0x8c: {  	s17 =	sshll.u32 s0, $0xA;
	s2 =	sadd.s32 s3, s2  }
0x8d: {  	s2 =	sadd.s32 s2, s17  }
0x8e: {  	[smem:$0x3FC2] =	sst s2  }
0x8f: {  	_ = 	snop  }
0x90: {  	s2 =	sld [smem:$0x3FD0];
	(tm) =	ssettm $0x1  }
0x91: {  	s18 =	sld [smem:$0x3FFB];
	_ =	sdelay $0x3  }
0x92: {  	_ =	strace s18  }
0x93: {  	s3 =	sld [smem:$0x3FFC];
	_ =	sdelay $0x3  }
0x94: {  	_ =	strace s3  }
0x95: {  	s3 =	sld [smem:$0x3FFD];
	_ =	sdelay $0x3  }
0x96: {  	_ =	strace s3  }
0x97: {  	_ =	strace $0x8FFFFFFF  }
0x98: {  	s19 =	sld [smem:$0x3FDB];
	_ =	sdelay $0x1  }
0x99: {  	s4 =	simm.s32 $_scs_section_size  }
0x9a: {  	s5 =	simm.s32 $_size__tile_overlayer_lowered;
	s6 =	simm.s32 $_tile_overlayer_lowered  }
0x9b: {  	s22 =	simm.s32 $0x1BFF;
	s21 =	sshll.u32 s6, $0x1;
	s3 =	sadd.s32 s4, s19  }
0x9c: {  	s7 =	simm.s32 $0x0;
	s20 =	sshll.u32 s5, $0x1;
	s5 =	sadd.s32 s21, s3  }
0x9d: {  	[timem:s7], [sflag:s22] =	dma.local [hbm:s5], s20  }
0x9e: {  	_ =	swait.ge [sflag:s22], s20  }
0x9f: {  	s4 =	ssub.s32 $0x0, s20;
	[sflag:s22] =	ssyncset.done $0x0  }
0xa0: {  	[sflag:s22] =	ssyncadd.s32 s4;
	_ =	sdelay $0x1  }
0xa1: {  	s23 =	simm.s32 $0x1B8B  }
0xa2: {  	_ =	swait.ge [sflag:s23], $0x1  }
0xa3: {  	[sflag:s23] =	ssyncset.done $0x0  }
0xa4: {  	s25 =	simm.s32 $0x1B8E;
	s24 =	sld [smem:$0x3FFE];
	[sflag:s23] =	ssyncadd.s32 $0xFFFFFFFF  }
0xa5: {  	s26 =	simm.s32 $execute0_lowered;
	[smem:$0x3FD2] =	sst s25  }
0xa6: {  	s5 =	sshll.u32 s26, $0x1;
	_ =	strace $0x80000049;
	[dreg:$0x1] =	wrdreg $0xFFFFFFFF  }
0xa7: {  	s28 =	simm.s32 $_size_execute0_lowered;
	s3 =	sadd.s32 s3, s5;
	[dreg:$0x0] =	wrdreg $0x0  }
0xa8: {  	s5 =	sshll.u32 s28, $0x1;
	[dreg:$0x2] =	wrdreg s3  }
0xa9: {  	[dreg:$0x3] =	wrdreg s5  }
0xaa: {  	[dreg:$0x4] =	wrdreg $0xC0  }
0xab: {  	_ =	task [dreg:s7], $0x5FFFF  }
0xac: {  	[dreg:$0x1] =	wrdreg $0xFFFFFFFF  }
0xad: {  	[dreg:$0x0] =	wrdreg $0x60  }
0xae: {  	[dreg:$0x2] =	wrdreg s2  }
0xaf: {  	[dreg:$0x3] =	wrdreg s24  }
0xb0: {  	[dreg:$0x4] =	wrdreg $0x29000  }
0xb1: {  	[dreg:$0x5] =	wrdreg $0x9  }
0xb2: {  	_ =	task.clear_ibuf [dreg:s7], $0x6FFFF;
	_ =	strace $0x90000049  }
0xb3: {  	s29 =	simm.s32 $0x9;
	_ =	strace $0x8000004B  }
0xb4: {  	_ =	swait.ge [sflag:s29], $0x1  }
0xb5: {  	[sflag:s29] =	ssyncadd.s32 $0xFFFFFFFF  }
0xb6: {  	_ =	strace $0x9000004B  }
0xb7: {  	_ =	sfence  }
0xb8: {  	s30 =	sld [smem:$0x0];
	_ =	sdelay $0x2  }
0xb9: {  	s31 =	sshll.u32 s1, $0xD;
	s1 =	sshrl.u32 s1, $0x2  }
0xba: {  	s3 =	sand.u32 $0x4000, s31;
	s1 =	sadd.s32 s1, s30  }
0xbb: {  	s0 =	sor.u32 s3, s0;
	s1 =	sshll.u32 s1, $0x11  }
0xbc: {  	s0 =	sor.u32 s1, s0  }
0xbd: {  	s0 =	sadd.s32 $0x8F2B, s0  }
0xbe: {  	[sflag:s0] =	ssyncadd.remote.s32 $0x1  }
0xbf: {  	_ =	sfence.sel $0xFFFF  }
0xc0: {  	[dreg:$0x0] =	wrdreg $0xFFFFFFFF;
	(pc) =	sbr.abs _section_cstart, $3  }
0xc1: {  	[dreg:$0x1] =	wrdreg $0xFFFFFFFF  }
0xc2: {  	_ =	task.clear_ibuf [dreg:s7], $0x2FFFF;
	_ =	strace $0x9FFFFFFF  }
0xc3: {  	(tm) =	ssettm $0x7FFFFFFF  }
tec
execute0_lowered:
.L_overlay_start_1:
0x0: {  	(tag) =	ssettag $0x1  }
0x1: {  	s1 =	rddreg [dreg:$0x0]  }
0x2: {  	s2 =	srdreg.scid;
	s5 =	rddreg [dreg:$0x1]  }
0x3: {  	s0 =	stileid.u32;
	s3 =	rddreg [dreg:$0x2];
	s4 =	simm.s32 $0x0  }
0x4: {  	s13 =	simm.s32 $0x80;
	s14 =	simm.s32 $0x50;
	s7 =	smul.u32 $0x5000, s0  }
0x5: {  	s15 =	simm.s32 $0x100;
	s16 =	simm.s32 $0x1;
	s26 =	smul.u32 $0x14000, s0  }
0x6: {  	s6 =	sand.u32 $0x1, s2;
	s2 =	rddreg [dreg:$0x3];
	s29 =	smul.u32 $0x50000, s0  }
0x7: {  	s17 =	simm.s32 $0x0;
	[smem:$0x7FF] =	sst s4;
	s8 =	smul.u32 $0x2800, s6  }
0x8: {  	s31 =	sshll.u32 s0, $0x6;
	s9 =	smul.u32 $0x140000, s6;
	s6 =	ssub.s32 $0x2, s6  }
0x9: {  	_ =	strace $0x8000004A;
	s28 =	sshrl.u32 s26, $0x3;
	s11 =	sshrl.u32 s6, $0x1  }
0xa: {  	s30 =	sshrl.u32 s29, $0x2;
	s7 =	sadd.s32 s8, s7;
	s8 =	sadd.s32 s26, s9  }
0xb: {  	s11 =	ssub.s32 s6, s11;
	s12 =	sadd.s32 s30, s3;
	s7 =	sshrl.u32 s7, $0x3  }
0xc: {  	s8 =	sshrl.u32 s8, $0x3;
	s10 =	sadd.s32 s7, s5;
	s7 =	sadd.s32 s28, s5  }
0xd: {  	s6 =	sor.u32 $0x1C02, s31;
	s8 =	sadd.s32 s8, s5;
	s5 =	sadd.s32 $0x17C00, s7  }
0xe: {  	s7 =	sadd.s32 $0x3FC00, s8;
	s8 =	smax.u32 s11, $0x1;
	s9 =	sadd.s32 $0xDC00, s10  }
0xf: {  	s10 =	sadd.s32 $0x3C00, s10;
	s11 =	sshrl.u32 s12, $0x3;
	s12 =	simm.s32 $0x2  }
.LBB2_1:
0x10: {  	[spmem:s11], [sflag:s6] =	dma.local [hbm:s5], $0x2800  }
0x11: {  	_ =	swait.ge [sflag:s12], $0x2800  }
0x12: {  	[sflag:s12] =	ssyncset.done $0x0  }
0x13: {  	[sflag:s12] =	ssyncadd.s32 $0xFFFFD800  }
0x14: {  	s18 =	sadd.s32 $0x0, s10;
	[bflag:$0x0] =	sbarrier.arrive $0xFFFF  }
0x15: {  	[tilespmem:s4], [sflag:$0x2] =	stream.linear.gather [hbm4b:s18+s4], $0x50, $0x38;
	[tilespmem:$0x16900] =	vst v63  }
0x16: {  	_ =	swait.ge [sflag:s12], $0x50  }
0x17: {  	[sflag:s12] =	ssyncset.done $0x0  }
0x18: {  	s31 =	sadd.s32 $0x0, s9;
	[sflag:s12] =	ssyncadd.s32 $0xFFFFFFB0  }
0x19: {  	[tilespmem:s13], [sflag:$0x2] =	stream.linear.gather [hbm4b:s31+s4], $0x50, $0x38;
	[tilespmem:$0x16900] =	vst v63  }
0x1a: {  	_ =	swait.ge [sflag:s12], $0x50  }
0x1b: {  	[sflag:s12] =	ssyncset.done $0x0  }
0x1c: {  	[sflag:s12] =	ssyncadd.s32 $0xFFFFFFB0  }
0x1d: {  	[tilespmem:s15], [sflag:$0x1] =	stream.indirect.gather [hbm4b:s1+s14], $0x80, s4, s14, $0xb8;
	[tilespmem:$0x16900] =	vst v63  }
0x1e: {  	_ =	swait.ge [sflag:s16], $0x2800  }
0x1f: {  	[sflag:s16] =	ssyncset.done $0x0  }
0x20: {  	[sflag:s16] =	ssyncadd.s32 $0xFFFFD800  }
0x21: {  	[spmem:s3] =	stream.indirect.scatter.add.f32 [tilespmem:s15], [sflag:$0x2], $0x80, s13, s14, $0xb8;
	[tilespmem:$0x16900] =	vst v63  }
0x22: {  	_ =	swait.ge [sflag:s12], $0x2800  }
0x23: {  	s19 =	simm.s32 $0x14;
	s18 =	simm.s32 $0xA;
	[sflag:s12] =	ssyncset.done $0x0  }
.LBB2_2:
0x24: {  	s20 =	sadd.s32 s18, s10  }
0x25: {  	[sflag:s12] =	ssyncadd.s32 $0xFFFFD800;
	s21 =	smov.u32 s19;
	s22 =	sadd.s32 $0xA, s19  }
0x26: {  	[tilespmem:s4], [sflag:$0x2] =	stream.linear.gather [hbm4b:s20+s4], $0x50, $0x38;
	[tilespmem:$0x16900] =	vst v63  }
0x27: {  	p0 =	sne.s32 s19, $0x4F6;
	_ =	swait.ge [sflag:s12], $0x50  }
0x28: {  	[sflag:s12] =	ssyncset.done $0x0  }
0x29: {  	s19 =	sadd.s32 s18, s9;
	s18 =	smov.u32 s21;
	[sflag:s12] =	ssyncadd.s32 $0xFFFFFFB0  }
0x2a: {  	[tilespmem:s13], [sflag:$0x2] =	stream.linear.gather [hbm4b:s19+s4], $0x50, $0x38;
	[tilespmem:$0x16900] =	vst v63  }
0x2b: {  	_ =	swait.ge [sflag:s12], $0x50  }
0x2c: {  	[sflag:s12] =	ssyncset.done $0x0  }
0x2d: {  	[sflag:s12] =	ssyncadd.s32 $0xFFFFFFB0  }
0x2e: {  	[tilespmem:s15], [sflag:$0x1] =	stream.indirect.gather [hbm4b:s1+s14], $0x80, s4, s14, $0xb8;
	[tilespmem:$0x16900] =	vst v63  }
0x2f: {  	_ =	swait.ge [sflag:s16], $0x2800  }
.Ltmp0:
0x30: {  	[sflag:s16] =	ssyncset.done $0x0;
	(pc) =	sbr.rel @p0 .LBB2_2-.Ltmp0, $4  }
0x31: {  	[sflag:s16] =	ssyncadd.s32 $0xFFFFD800  }
0x32: {  	[spmem:s3] =	stream.indirect.scatter.add.f32 [tilespmem:s15], [sflag:$0x2], $0x80, s13, s14, $0xb8;
	[tilespmem:$0x16900] =	vst v63  }
0x33: {  	_ =	swait.ge [sflag:s12], $0x2800  }
0x34: {  	s19 =	smov.u32 s22;
	[sflag:s12] =	ssyncset.done $0x0  }
0x35: {  	s19 =	sadd.s32 s18, s10;
	[sflag:s12] =	ssyncadd.s32 $0xFFFFD800  }
0x36: {  	[tilespmem:s4], [sflag:$0x2] =	stream.linear.gather [hbm4b:s19+s4], $0x50, $0x38;
	[tilespmem:$0x16900] =	vst v63  }
0x37: {  	_ =	swait.ge [sflag:s12], $0x50  }
0x38: {  	[sflag:s12] =	ssyncset.done $0x0  }
0x39: {  	s31 =	sadd.s32 s18, s9;
	[sflag:s12] =	ssyncadd.s32 $0xFFFFFFB0  }
0x3a: {  	[tilespmem:s13], [sflag:$0x2] =	stream.linear.gather [hbm4b:s31+s4], $0x50, $0x38;
	[tilespmem:$0x16900] =	vst v63  }
0x3b: {  	_ =	swait.ge [sflag:s12], $0x50  }
0x3c: {  	[sflag:s12] =	ssyncset.done $0x0  }
0x3d: {  	[sflag:s12] =	ssyncadd.s32 $0xFFFFFFB0  }
0x3e: {  	[tilespmem:s15], [sflag:$0x1] =	stream.indirect.gather [hbm4b:s1+s14], $0x80, s4, s14, $0xb8;
	[tilespmem:$0x16900] =	vst v63  }
0x3f: {  	_ =	swait.ge [sflag:s16], $0x2800  }
0x40: {  	[sflag:s16] =	ssyncset.done $0x0  }
0x41: {  	[sflag:s16] =	ssyncadd.s32 $0xFFFFD800  }
0x42: {  	[spmem:s3] =	stream.indirect.scatter.add.f32 [tilespmem:s15], [sflag:$0x2], $0x80, s13, s14, $0xb8;
	[tilespmem:$0x16900] =	vst v63  }
0x43: {  	_ =	swait.ge [sflag:s12], $0x2800  }
0x44: {  	s17 =	sadd.s32 $0x1, s17;
	[sflag:s12] =	ssyncset.done $0x0  }
0x45: {  	p0 =	sne.s32 s17, s8;
	[sflag:s12] =	ssyncadd.s32 $0xFFFFD800  }
.Ltmp1:
0x46: {  	[bflag:$0x0] =	sbarrier.arrive $0xFFFF;
	(pc) =	sbr.rel @p0 .LBB2_1-.Ltmp1, $4  }
0x47: {  	[hbm:s7], [sflag:s6] =	dma.local [spmem:s11], $0x2800  }
0x48: {  	_ =	swait.ge [sflag:s12], $0x2800  }
0x49: {  	[sflag:s12] =	ssyncset.done $0x0  }
0x4a: {  	[sflag:s12] =	ssyncadd.s32 $0xFFFFD800  }
0x4b: {  	_ =	sfence.sel $0x180000  }
0x4c: {  	[bflag:$0x0] =	sbarrier.arrive $0xFFFF  }
0x4d: {  	p0 =	sne.s32 s0, $0x0;
	_ =	strace $0x9000004A  }
0x4e: {  	s0 =	sadd.s32 @!p0 $0x100000, s2;
	[bflag:$0x2] =	sbarrier.arrive $0xFFFF  }
0x4f: {  	[sflag:s0] =	ssyncadd.tile.s32 @!p0 $0x1;
	_ =	shalt  }
.Lfunc_end2:
_tile_overlayer_lowered:
.L_overlay_start_2:
0x50: {  	(tag) =	ssettag $0x2  }
0x51: {  	s0 =	rddreg [dreg:$0x0];
	s2 =	stileid.u32  }
0x52: {  	s1 =	rddreg [dreg:$0x1];
	p0 =	sne.s32 s2, $0x0  }
0x53: {  	s3 =	rddreg [dreg:$0x2];
	[bflag:$0x3] =	sbarrier.arrive $0xFFFF;
	s2 =	simm.s32 @!p0 $0x1C02  }
0x54: {  	[timem:s3], [sflag:s2] =	dma.local @!p0 [hbm:s0], s1  }
0x55: {  	s0 =	simm.s32 @!p0 $0x2  }
0x56: {  	_ =	swait.ge @!p0 [sflag:s0], s1  }
0x57: {  	s1 =	ssub.s32 @!p0 $0x0, s1;
	[sflag:s0] =	ssyncset.done @!p0 $0x0  }
0x58: {  	[sflag:s0] =	ssyncadd.s32 @!p0 s1  }
0x59: {  	[bflag:$0x3] =	sbarrier.arrive $0xFFFF  }
0x5a: {  	_ =	shalt  }

// kernel: kernel.14.cloned.1.call-start
scs
__scs_entry_jumppad:
0x0: {  	(pc) =	sbr.rel $0x88, $3  }
0x1: {  	(tag) =	ssettag $0x0;
	lr =	simm.s32 $0x1  }
0x2: {  	[smem:$0x3F9B] =	sst lr;
	_ =	strace $0xD0000000  }
0x3: {  	_ = 	snop  }
0x4: {  	_ = 	snop  }
0x5: {  	_ = 	snop  }
0x6: {  	_ = 	snop  }
0x7: {  	_ = 	snop  }
__scs_overlays_trampoline_lowered:
0x8: {  	[smem:$0x3FAA] =	sst s0  }
0x9: {  	[smem:$0x3FAB] =	sst s1  }
0xa: {  	[smem:$0x3FAC] =	sst s2  }
0xb: {  	[smem:$0x3FAD] =	sst s3  }
0xc: {  	[smem:$0x3FAE] =	sst s4  }
0xd: {  	[smem:$0x3FAF] =	sst s5  }
0xe: {  	[smem:$0x3FB0] =	sst s6  }
0xf: {  	[smem:$0x3FB1] =	sst s7  }
0x10: {  	[smem:$0x3FB2] =	sst s8  }
0x11: {  	[smem:$0x3FB3] =	sst s9;
	s0 =	simm.s32 @!p0 $0x0  }
0x12: {  	s1 =	sld [smem:$0x3F99];
	s0 =	simm.s32 @p0 $0x1  }
0x13: {  	[smem:$0x3FB4] =	sst s0;
	s0 =	simm.s32 @!p1 $0x0  }
0x14: {  	s2 =	sld [smem:$0x3F98];
	s0 =	simm.s32 @p1 $0x1  }
0x15: {  	[smem:$0x3FB5] =	sst s0;
	s0 =	simm.s32 @!p2 $0x0  }
0x16: {  	s3 =	sld [smem:$0x3FDB];
	s0 =	simm.s32 @p2 $0x1  }
0x17: {  	s4 =	simm.s32 $0x1BF5;
	[smem:$0x3FB7] =	sst s0  }
0x18: {  	s0 =	sld [smem:$0x3F9A];
	_ =	swait.ge [sflag:s4], $0x0  }
0x19: {  	s7 =	sld [smem:$0x3F9B]  }
0x1a: {  	s8 =	sadd.s32 $0xFFFFE003, lr  }
0x1b: {  	s9 =	sadd.s32 $0xFFFFFEF7, lr;
	s5 =	simm.s32 $0xFFFFFFFF;
	p2 =	slt.u32 s8, $0xFFFFF086  }
0x1c: {  	p1 =	slt.u32 s9, $0xF7A;
	s5 =	simm.s32 @!p2 $0x0  }
0x1d: {  	s5 =	simm.s32 @p1 $0x1;
	p0 =	seq.s32 s7, s2  }
0x1e: {  	s7 =	smul.u32 @!p0 $0xF7A, s2;
	p2 =	seq.s32 @!p0 s5, $0x0  }
0x1f: {  	s9 =	smul.u32 $0xF7A, s1;
	s8 =	simm.s32 @!p0 $0x1BF5;
	p2 =	por !p2, p0  }
0x20: {  	[sflag:s8] =	ssyncset.s32 @!p0 $0xFFFFF086;
	s6 =	sadd.s32 @!p0 s3, s7;
	s7 =	simm.s32 @!p0 $0x108  }
0x21: {  	s3 =	sadd.s32 s3, s9;
	s6 =	sadd.s32 @!p0 $0x88, s6;
	s7 =	simm.s32 @p2 $0x1082  }
0x22: {  	[simem:s7], [sflag:s8] =	dma.local @!p0 [hbm:s6], $0xF7A  }
0x23: {  	s9 =	sor.u32 $0xD0000000, s2;
	s6 =	simm.s32 $0x108;
	_ =	swait.ge @!p0 [sflag:s8], $0x0  }
0x24: {  	s3 =	sadd.s32 $0x88, s3;
	s6 =	simm.s32 @!p1 $0x1082;
	[sflag:s4] =	ssyncset.s32 $0xFFFFF086  }
0x25: {  	[simem:s6], [sflag:s4] =	dma.local [hbm:s3], $0xF7A  }
0x26: {  	[smem:$0x3F9B] =	sst s1;
	(tag) =	ssettag s2;
	_ =	strace s9  }
0x27: {  	s1 =	sld [smem:$0x3FAB]  }
0x28: {  	s2 =	sld [smem:$0x3FAC]  }
0x29: {  	s4 =	sld [smem:$0x3FAE]  }
0x2a: {  	p0 =	seq.s32 s5, $0x0;
	s5 =	sld [smem:$0x3FAF]  }
0x2b: {  	s6 =	sld [smem:$0x3FB0]  }
0x2c: {  	s7 =	sld [smem:$0x3FB1]  }
0x2d: {  	s3 =	simm.s32 $0x108;
	s8 =	sld [smem:$0x3FB2]  }
0x2e: {  	s3 =	simm.s32 @!p0 $0x1082;
	s9 =	sld [smem:$0x3FB3]  }
0x2f: {  	lr =	sadd.s32 s0, s3;
	s0 =	sld [smem:$0x3FAA]  }
0x30: {  	s3 =	sld [smem:$0x3FAD]  }
0x31: {  	[smem:$0x3FB6] =	sst s10  }
0x32: {  	s10 =	sld [smem:$0x3FB4];
	_ =	sdelay $0x3  }
0x33: {  	p0 =	seq.s32 s10, $0x1;
	s10 =	sld [smem:$0x3FB6];
	_ =	sdelay $0x3  }
0x34: {  	[smem:$0x3FB6] =	sst s10  }
0x35: {  	s10 =	sld [smem:$0x3FB5];
	_ =	sdelay $0x3  }
0x36: {  	p1 =	seq.s32 s10, $0x1;
	s10 =	sld [smem:$0x3FB6];
	_ =	sdelay $0x3  }
0x37: {  	[smem:$0x3FB6] =	sst s10  }
0x38: {  	s10 =	sld [smem:$0x3FB7]  }
0x39: {  	_ = 	snop;
	(pc) =	sbr.ind lr, $3  }
0x3a: {  	_ = 	snop  }
0x3b: {  	_ = 	snop  }
0x3c: {  	p2 =	seq.s32 s10, $0x1;
	s10 =	sld [smem:$0x3FB6]  }
0x3d: {  	_ =	shalt  }
0x3e: {  	_ =	shalt  }
0x3f: {  	_ =	shalt  }
0x40: {  	_ =	shalt  }
0x41: {  	_ =	shalt  }
0x42: {  	_ =	shalt  }
0x43: {  	_ =	shalt  }
0x44: {  	_ =	shalt  }
0x45: {  	_ =	shalt  }
0x46: {  	_ =	shalt  }
0x47: {  	_ =	shalt  }
0x48: {  	_ =	shalt  }
0x49: {  	_ =	shalt  }
0x4a: {  	_ =	shalt  }
0x4b: {  	_ =	shalt  }
0x4c: {  	_ =	shalt  }
0x4d: {  	_ =	shalt  }
0x4e: {  	_ =	shalt  }
0x4f: {  	_ =	shalt  }
0x50: {  	_ =	shalt  }
0x51: {  	_ =	shalt  }
0x52: {  	_ =	shalt  }
0x53: {  	_ =	shalt  }
0x54: {  	_ =	shalt  }
0x55: {  	_ =	shalt  }
0x56: {  	_ =	shalt  }
0x57: {  	_ =	shalt  }
0x58: {  	_ =	shalt  }
0x59: {  	_ =	shalt  }
0x5a: {  	_ =	shalt  }
0x5b: {  	_ =	shalt  }
0x5c: {  	_ =	shalt  }
0x5d: {  	_ =	shalt  }
0x5e: {  	_ =	shalt  }
0x5f: {  	_ =	shalt  }
0x60: {  	_ =	shalt  }
0x61: {  	_ =	shalt  }
0x62: {  	_ =	shalt  }
0x63: {  	_ =	shalt  }
0x64: {  	_ =	shalt  }
0x65: {  	_ =	shalt  }
0x66: {  	_ =	shalt  }
0x67: {  	_ =	shalt  }
0x68: {  	_ =	shalt  }
0x69: {  	_ =	shalt  }
0x6a: {  	_ =	shalt  }
0x6b: {  	_ =	shalt  }
0x6c: {  	_ =	shalt  }
0x6d: {  	_ =	shalt  }
0x6e: {  	_ =	shalt  }
0x6f: {  	_ =	shalt  }
0x70: {  	_ =	shalt  }
0x71: {  	_ =	shalt  }
0x72: {  	_ =	shalt  }
0x73: {  	_ =	shalt  }
0x74: {  	_ =	shalt  }
0x75: {  	_ =	shalt  }
0x76: {  	_ =	shalt  }
0x77: {  	_ =	shalt  }
0x78: {  	_ =	shalt  }
0x79: {  	_ =	shalt  }
0x7a: {  	_ =	shalt  }
0x7b: {  	_ =	shalt  }
0x7c: {  	_ =	shalt  }
0x7d: {  	_ =	shalt  }
0x7e: {  	_ =	shalt  }
0x7f: {  	_ =	shalt  }
0x80: {  	_ =	shalt  }
0x81: {  	_ =	shalt  }
0x82: {  	_ =	shalt  }
0x83: {  	_ =	shalt  }
0x84: {  	_ =	shalt  }
0x85: {  	_ =	shalt  }
0x86: {  	_ =	shalt  }
0x87: {  	_ =	shalt  }
.Lfunc_end0:
.L_simem_size_0:
called_computation.2_lowered:
.L_overlay_start_0:
0x88: {  	s2 =	sld [smem:$0x3FD9]  }
0x89: {  	s3 =	sld [smem:$0x3FFE];
	_ =	sdelay $0x1  }
0x8a: {  	s1 =	srdreg.scid  }
0x8b: {  	s0 =	sand.u32 $0x1, s1  }
0x8c: {  	s17 =	sshll.u32 s0, $0xA;
	s2 =	sadd.s32 s3, s2  }
0x8d: {  	s2 =	sadd.s32 s2, s17  }
0x8e: {  	[smem:$0x3FC2] =	sst s2  }
0x8f: {  	_ = 	snop  }
0x90: {  	s2 =	sld [smem:$0x3FD0];
	(tm) =	ssettm $0x1  }
0x91: {  	s18 =	sld [smem:$0x3FFB];
	_ =	sdelay $0x3  }
0x92: {  	_ =	strace s18  }
0x93: {  	s3 =	sld [smem:$0x3FFC];
	_ =	sdelay $0x3  }
0x94: {  	_ =	strace s3  }
0x95: {  	s3 =	sld [smem:$0x3FFD];
	_ =	sdelay $0x3  }
0x96: {  	_ =	strace s3  }
0x97: {  	_ =	strace $0x8FFFFFFF  }
0x98: {  	s19 =	sld [smem:$0x3FDB];
	_ =	sdelay $0x1  }
0x99: {  	s4 =	simm.s32 $_scs_section_size  }
0x9a: {  	s5 =	simm.s32 $_size__tile_overlayer_lowered;
	s6 =	simm.s32 $_tile_overlayer_lowered  }
0x9b: {  	s22 =	simm.s32 $0x1BFF;
	s21 =	sshll.u32 s6, $0x1;
	s3 =	sadd.s32 s4, s19  }
0x9c: {  	s7 =	simm.s32 $0x0;
	s20 =	sshll.u32 s5, $0x1;
	s5 =	sadd.s32 s21, s3  }
0x9d: {  	[timem:s7], [sflag:s22] =	dma.local [hbm:s5], s20  }
0x9e: {  	_ =	swait.ge [sflag:s22], s20  }
0x9f: {  	s4 =	ssub.s32 $0x0, s20;
	[sflag:s22] =	ssyncset.done $0x0  }
0xa0: {  	[sflag:s22] =	ssyncadd.s32 s4;
	_ =	sdelay $0x1  }
0xa1: {  	s23 =	simm.s32 $0x1B8B  }
0xa2: {  	_ =	swait.ge [sflag:s23], $0x1  }
0xa3: {  	[sflag:s23] =	ssyncset.done $0x0  }
0xa4: {  	s25 =	simm.s32 $0x1B8E;
	s24 =	sld [smem:$0x3FFE];
	[sflag:s23] =	ssyncadd.s32 $0xFFFFFFFF  }
0xa5: {  	s26 =	simm.s32 $execute0_lowered;
	[smem:$0x3FD2] =	sst s25  }
0xa6: {  	s5 =	sshll.u32 s26, $0x1;
	_ =	strace $0x8000004C;
	[dreg:$0x1] =	wrdreg $0xFFFFFFFF  }
0xa7: {  	s28 =	simm.s32 $_size_execute0_lowered;
	s3 =	sadd.s32 s3, s5;
	[dreg:$0x0] =	wrdreg $0x0  }
0xa8: {  	s5 =	sshll.u32 s28, $0x1;
	[dreg:$0x2] =	wrdreg s3  }
0xa9: {  	[dreg:$0x3] =	wrdreg s5  }
0xaa: {  	[dreg:$0x4] =	wrdreg $0xC0  }
0xab: {  	_ =	task [dreg:s7], $0x5FFFF  }
0xac: {  	[dreg:$0x1] =	wrdreg $0xFFFFFFFF  }
0xad: {  	[dreg:$0x0] =	wrdreg $0x60  }
0xae: {  	[dreg:$0x2] =	wrdreg s2  }
0xaf: {  	[dreg:$0x3] =	wrdreg s24  }
0xb0: {  	[dreg:$0x4] =	wrdreg $0x29000  }
0xb1: {  	[dreg:$0x5] =	wrdreg $0x9  }
0xb2: {  	_ =	task.clear_ibuf [dreg:s7], $0x6FFFF;
	_ =	strace $0x9000004C  }
0xb3: {  	s29 =	simm.s32 $0x9;
	_ =	strace $0x8000004E  }
0xb4: {  	_ =	swait.ge [sflag:s29], $0x1  }
0xb5: {  	[sflag:s29] =	ssyncadd.s32 $0xFFFFFFFF  }
0xb6: {  	_ =	strace $0x9000004E  }
0xb7: {  	_ =	sfence  }
0xb8: {  	s30 =	sld [smem:$0x0];
	_ =	sdelay $0x2  }
0xb9: {  	s31 =	sshll.u32 s1, $0xD;
	s1 =	sshrl.u32 s1, $0x2  }
0xba: {  	s3 =	sand.u32 $0x4000, s31;
	s1 =	sadd.s32 s1, s30  }
0xbb: {  	s0 =	sor.u32 s3, s0;
	s1 =	sshll.u32 s1, $0x11  }
0xbc: {  	s0 =	sor.u32 s1, s0  }
0xbd: {  	s0 =	sadd.s32 $0x8F2B, s0  }
0xbe: {  	[sflag:s0] =	ssyncadd.remote.s32 $0x1  }
0xbf: {  	_ =	sfence.sel $0xFFFF  }
0xc0: {  	[dreg:$0x0] =	wrdreg $0xFFFFFFFF;
	(pc) =	sbr.abs _section_cstart, $3  }
0xc1: {  	[dreg:$0x1] =	wrdreg $0xFFFFFFFF  }
0xc2: {  	_ =	task.clear_ibuf [dreg:s7], $0x2FFFF;
	_ =	strace $0x9FFFFFFF  }
0xc3: {  	(tm) =	ssettm $0x7FFFFFFF  }
tec
execute0_lowered:
.L_overlay_start_1:
0x0: {  	(tag) =	ssettag $0x1  }
0x1: {  	s1 =	rddreg [dreg:$0x0]  }
0x2: {  	s2 =	srdreg.scid;
	s5 =	rddreg [dreg:$0x1]  }
0x3: {  	s0 =	stileid.u32;
	s3 =	rddreg [dreg:$0x2];
	s4 =	simm.s32 $0x0  }
0x4: {  	s13 =	simm.s32 $0x80;
	s14 =	simm.s32 $0x50;
	s7 =	smul.u32 $0x5000, s0  }
0x5: {  	s15 =	simm.s32 $0x100;
	s16 =	simm.s32 $0x1;
	s26 =	smul.u32 $0x14000, s0  }
0x6: {  	s6 =	sand.u32 $0x1, s2;
	s2 =	rddreg [dreg:$0x3];
	s29 =	smul.u32 $0x50000, s0  }
0x7: {  	s17 =	simm.s32 $0x0;
	[smem:$0x7FF] =	sst s4;
	s8 =	smul.u32 $0x2800, s6  }
0x8: {  	s31 =	sshll.u32 s0, $0x6;
	s9 =	smul.u32 $0x140000, s6;
	s6 =	ssub.s32 $0x2, s6  }
0x9: {  	_ =	strace $0x8000004D;
	s28 =	sshrl.u32 s26, $0x3;
	s11 =	sshrl.u32 s6, $0x1  }
0xa: {  	s30 =	sshrl.u32 s29, $0x2;
	s7 =	sadd.s32 s8, s7;
	s8 =	sadd.s32 s26, s9  }
0xb: {  	s11 =	ssub.s32 s6, s11;
	s12 =	sadd.s32 s30, s3;
	s7 =	sshrl.u32 s7, $0x3  }
0xc: {  	s8 =	sshrl.u32 s8, $0x3;
	s10 =	sadd.s32 s7, s5;
	s7 =	sadd.s32 s28, s5  }
0xd: {  	s6 =	sor.u32 $0x1C02, s31;
	s8 =	sadd.s32 s8, s5;
	s5 =	sadd.s32 $0x17C00, s7  }
0xe: {  	s7 =	sadd.s32 $0x3FC00, s8;
	s8 =	smax.u32 s11, $0x1;
	s9 =	sadd.s32 $0xDC00, s10  }
0xf: {  	s10 =	sadd.s32 $0x3C00, s10;
	s11 =	sshrl.u32 s12, $0x3;
	s12 =	simm.s32 $0x2  }
.LBB2_1:
0x10: {  	[spmem:s11], [sflag:s6] =	dma.local [hbm:s5], $0x2800  }
0x11: {  	_ =	swait.ge [sflag:s12], $0x2800  }
0x12: {  	[sflag:s12] =	ssyncset.done $0x0  }
0x13: {  	[sflag:s12] =	ssyncadd.s32 $0xFFFFD800  }
0x14: {  	s18 =	sadd.s32 $0x0, s10;
	[bflag:$0x0] =	sbarrier.arrive $0xFFFF  }
0x15: {  	[tilespmem:s4], [sflag:$0x2] =	stream.linear.gather [hbm4b:s18+s4], $0x50, $0x38;
	[tilespmem:$0x16900] =	vst v63  }
0x16: {  	_ =	swait.ge [sflag:s12], $0x50  }
0x17: {  	[sflag:s12] =	ssyncset.done $0x0  }
0x18: {  	s31 =	sadd.s32 $0x0, s9;
	[sflag:s12] =	ssyncadd.s32 $0xFFFFFFB0  }
0x19: {  	[tilespmem:s13], [sflag:$0x2] =	stream.linear.gather [hbm4b:s31+s4], $0x50, $0x38;
	[tilespmem:$0x16900] =	vst v63  }
0x1a: {  	_ =	swait.ge [sflag:s12], $0x50  }
0x1b: {  	[sflag:s12] =	ssyncset.done $0x0  }
0x1c: {  	[sflag:s12] =	ssyncadd.s32 $0xFFFFFFB0  }
0x1d: {  	[tilespmem:s15], [sflag:$0x1] =	stream.indirect.gather [hbm4b:s1+s14], $0x80, s4, s14, $0xb8;
	[tilespmem:$0x16900] =	vst v63  }
0x1e: {  	_ =	swait.ge [sflag:s16], $0x2800  }
0x1f: {  	[sflag:s16] =	ssyncset.done $0x0  }
0x20: {  	[sflag:s16] =	ssyncadd.s32 $0xFFFFD800  }
0x21: {  	[spmem:s3] =	stream.indirect.scatter.add.f32 [tilespmem:s15], [sflag:$0x2], $0x80, s13, s14, $0xb8;
	[tilespmem:$0x16900] =	vst v63  }
0x22: {  	_ =	swait.ge [sflag:s12], $0x2800  }
0x23: {  	s19 =	simm.s32 $0x14;
	s18 =	simm.s32 $0xA;
	[sflag:s12] =	ssyncset.done $0x0  }
.LBB2_2:
0x24: {  	s20 =	sadd.s32 s18, s10  }
0x25: {  	[sflag:s12] =	ssyncadd.s32 $0xFFFFD800;
	s21 =	smov.u32 s19;
	s22 =	sadd.s32 $0xA, s19  }
0x26: {  	[tilespmem:s4], [sflag:$0x2] =	stream.linear.gather [hbm4b:s20+s4], $0x50, $0x38;
	[tilespmem:$0x16900] =	vst v63  }
0x27: {  	p0 =	sne.s32 s19, $0x4F6;
	_ =	swait.ge [sflag:s12], $0x50  }
0x28: {  	[sflag:s12] =	ssyncset.done $0x0  }
0x29: {  	s19 =	sadd.s32 s18, s9;
	s18 =	smov.u32 s21;
	[sflag:s12] =	ssyncadd.s32 $0xFFFFFFB0  }
0x2a: {  	[tilespmem:s13], [sflag:$0x2] =	stream.linear.gather [hbm4b:s19+s4], $0x50, $0x38;
	[tilespmem:$0x16900] =	vst v63  }
0x2b: {  	_ =	swait.ge [sflag:s12], $0x50  }
0x2c: {  	[sflag:s12] =	ssyncset.done $0x0  }
0x2d: {  	[sflag:s12] =	ssyncadd.s32 $0xFFFFFFB0  }
0x2e: {  	[tilespmem:s15], [sflag:$0x1] =	stream.indirect.gather [hbm4b:s1+s14], $0x80, s4, s14, $0xb8;
	[tilespmem:$0x16900] =	vst v63  }
0x2f: {  	_ =	swait.ge [sflag:s16], $0x2800  }
.Ltmp0:
0x30: {  	[sflag:s16] =	ssyncset.done $0x0;
	(pc) =	sbr.rel @p0 .LBB2_2-.Ltmp0, $4  }
0x31: {  	[sflag:s16] =	ssyncadd.s32 $0xFFFFD800  }
0x32: {  	[spmem:s3] =	stream.indirect.scatter.add.f32 [tilespmem:s15], [sflag:$0x2], $0x80, s13, s14, $0xb8;
	[tilespmem:$0x16900] =	vst v63  }
0x33: {  	_ =	swait.ge [sflag:s12], $0x2800  }
0x34: {  	s19 =	smov.u32 s22;
	[sflag:s12] =	ssyncset.done $0x0  }
0x35: {  	s19 =	sadd.s32 s18, s10;
	[sflag:s12] =	ssyncadd.s32 $0xFFFFD800  }
0x36: {  	[tilespmem:s4], [sflag:$0x2] =	stream.linear.gather [hbm4b:s19+s4], $0x50, $0x38;
	[tilespmem:$0x16900] =	vst v63  }
0x37: {  	_ =	swait.ge [sflag:s12], $0x50  }
0x38: {  	[sflag:s12] =	ssyncset.done $0x0  }
0x39: {  	s31 =	sadd.s32 s18, s9;
	[sflag:s12] =	ssyncadd.s32 $0xFFFFFFB0  }
0x3a: {  	[tilespmem:s13], [sflag:$0x2] =	stream.linear.gather [hbm4b:s31+s4], $0x50, $0x38;
	[tilespmem:$0x16900] =	vst v63  }
0x3b: {  	_ =	swait.ge [sflag:s12], $0x50  }
0x3c: {  	[sflag:s12] =	ssyncset.done $0x0  }
0x3d: {  	[sflag:s12] =	ssyncadd.s32 $0xFFFFFFB0  }
0x3e: {  	[tilespmem:s15], [sflag:$0x1] =	stream.indirect.gather [hbm4b:s1+s14], $0x80, s4, s14, $0xb8;
	[tilespmem:$0x16900] =	vst v63  }
0x3f: {  	_ =	swait.ge [sflag:s16], $0x2800  }
0x40: {  	[sflag:s16] =	ssyncset.done $0x0  }
0x41: {  	[sflag:s16] =	ssyncadd.s32 $0xFFFFD800  }
0x42: {  	[spmem:s3] =	stream.indirect.scatter.add.f32 [tilespmem:s15], [sflag:$0x2], $0x80, s13, s14, $0xb8;
	[tilespmem:$0x16900] =	vst v63  }
0x43: {  	_ =	swait.ge [sflag:s12], $0x2800  }
0x44: {  	s17 =	sadd.s32 $0x1, s17;
	[sflag:s12] =	ssyncset.done $0x0  }
0x45: {  	p0 =	sne.s32 s17, s8;
	[sflag:s12] =	ssyncadd.s32 $0xFFFFD800  }
.Ltmp1:
0x46: {  	[bflag:$0x0] =	sbarrier.arrive $0xFFFF;
	(pc) =	sbr.rel @p0 .LBB2_1-.Ltmp1, $4  }
0x47: {  	[hbm:s7], [sflag:s6] =	dma.local [spmem:s11], $0x2800  }
0x48: {  	_ =	swait.ge [sflag:s12], $0x2800  }
0x49: {  	[sflag:s12] =	ssyncset.done $0x0  }
0x4a: {  	[sflag:s12] =	ssyncadd.s32 $0xFFFFD800  }
0x4b: {  	_ =	sfence.sel $0x180000  }
0x4c: {  	[bflag:$0x0] =	sbarrier.arrive $0xFFFF  }
0x4d: {  	p0 =	sne.s32 s0, $0x0;
	_ =	strace $0x9000004D  }
0x4e: {  	s0 =	sadd.s32 @!p0 $0x100000, s2;
	[bflag:$0x2] =	sbarrier.arrive $0xFFFF  }
0x4f: {  	[sflag:s0] =	ssyncadd.tile.s32 @!p0 $0x1;
	_ =	shalt  }
.Lfunc_end2:
_tile_overlayer_lowered:
.L_overlay_start_2:
0x50: {  	(tag) =	ssettag $0x2  }
0x51: {  	s0 =	rddreg [dreg:$0x0];
	s2 =	stileid.u32  }
0x52: {  	s1 =	rddreg [dreg:$0x1];
	p0 =	sne.s32 s2, $0x0  }
0x53: {  	s3 =	rddreg [dreg:$0x2];
	[bflag:$0x3] =	sbarrier.arrive $0xFFFF;
	s2 =	simm.s32 @!p0 $0x1C02  }
0x54: {  	[timem:s3], [sflag:s2] =	dma.local @!p0 [hbm:s0], s1  }
0x55: {  	s0 =	simm.s32 @!p0 $0x2  }
0x56: {  	_ =	swait.ge @!p0 [sflag:s0], s1  }
0x57: {  	s1 =	ssub.s32 @!p0 $0x0, s1;
	[sflag:s0] =	ssyncset.done @!p0 $0x0  }
0x58: {  	[sflag:s0] =	ssyncadd.s32 @!p0 s1  }
0x59: {  	[bflag:$0x3] =	sbarrier.arrive $0xFFFF  }
0x5a: {  	_ =	shalt  }

// kernel: kernel.8.cloned.1.call-start
scs
__scs_entry_jumppad:
0x0: {  	(pc) =	sbr.rel $0x88, $3  }
0x1: {  	(tag) =	ssettag $0x0;
	lr =	simm.s32 $0x1  }
0x2: {  	[smem:$0x3F9B] =	sst lr;
	_ =	strace $0xD0000000  }
0x3: {  	_ = 	snop  }
0x4: {  	_ = 	snop  }
0x5: {  	_ = 	snop  }
0x6: {  	_ = 	snop  }
0x7: {  	_ = 	snop  }
__scs_overlays_trampoline_lowered:
0x8: {  	[smem:$0x3FAA] =	sst s0  }
0x9: {  	[smem:$0x3FAB] =	sst s1  }
0xa: {  	[smem:$0x3FAC] =	sst s2  }
0xb: {  	[smem:$0x3FAD] =	sst s3  }
0xc: {  	[smem:$0x3FAE] =	sst s4  }
0xd: {  	[smem:$0x3FAF] =	sst s5  }
0xe: {  	[smem:$0x3FB0] =	sst s6  }
0xf: {  	[smem:$0x3FB1] =	sst s7  }
0x10: {  	[smem:$0x3FB2] =	sst s8  }
0x11: {  	[smem:$0x3FB3] =	sst s9;
	s0 =	simm.s32 @!p0 $0x0  }
0x12: {  	s1 =	sld [smem:$0x3F99];
	s0 =	simm.s32 @p0 $0x1  }
0x13: {  	[smem:$0x3FB4] =	sst s0;
	s0 =	simm.s32 @!p1 $0x0  }
0x14: {  	s2 =	sld [smem:$0x3F98];
	s0 =	simm.s32 @p1 $0x1  }
0x15: {  	[smem:$0x3FB5] =	sst s0;
	s0 =	simm.s32 @!p2 $0x0  }
0x16: {  	s3 =	sld [smem:$0x3FDB];
	s0 =	simm.s32 @p2 $0x1  }
0x17: {  	s4 =	simm.s32 $0x1BF5;
	[smem:$0x3FB7] =	sst s0  }
0x18: {  	s0 =	sld [smem:$0x3F9A];
	_ =	swait.ge [sflag:s4], $0x0  }
0x19: {  	s7 =	sld [smem:$0x3F9B]  }
0x1a: {  	s8 =	sadd.s32 $0xFFFFE003, lr  }
0x1b: {  	s9 =	sadd.s32 $0xFFFFFEF7, lr;
	s5 =	simm.s32 $0xFFFFFFFF;
	p2 =	slt.u32 s8, $0xFFFFF086  }
0x1c: {  	p1 =	slt.u32 s9, $0xF7A;
	s5 =	simm.s32 @!p2 $0x0  }
0x1d: {  	s5 =	simm.s32 @p1 $0x1;
	p0 =	seq.s32 s7, s2  }
0x1e: {  	s7 =	smul.u32 @!p0 $0xF7A, s2;
	p2 =	seq.s32 @!p0 s5, $0x0  }
0x1f: {  	s9 =	smul.u32 $0xF7A, s1;
	s8 =	simm.s32 @!p0 $0x1BF5;
	p2 =	por !p2, p0  }
0x20: {  	[sflag:s8] =	ssyncset.s32 @!p0 $0xFFFFF086;
	s6 =	sadd.s32 @!p0 s3, s7;
	s7 =	simm.s32 @!p0 $0x108  }
0x21: {  	s3 =	sadd.s32 s3, s9;
	s6 =	sadd.s32 @!p0 $0x88, s6;
	s7 =	simm.s32 @p2 $0x1082  }
0x22: {  	[simem:s7], [sflag:s8] =	dma.local @!p0 [hbm:s6], $0xF7A  }
0x23: {  	s9 =	sor.u32 $0xD0000000, s2;
	s6 =	simm.s32 $0x108;
	_ =	swait.ge @!p0 [sflag:s8], $0x0  }
0x24: {  	s3 =	sadd.s32 $0x88, s3;
	s6 =	simm.s32 @!p1 $0x1082;
	[sflag:s4] =	ssyncset.s32 $0xFFFFF086  }
0x25: {  	[simem:s6], [sflag:s4] =	dma.local [hbm:s3], $0xF7A  }
0x26: {  	[smem:$0x3F9B] =	sst s1;
	(tag) =	ssettag s2;
	_ =	strace s9  }
0x27: {  	s1 =	sld [smem:$0x3FAB]  }
0x28: {  	s2 =	sld [smem:$0x3FAC]  }
0x29: {  	s4 =	sld [smem:$0x3FAE]  }
0x2a: {  	p0 =	seq.s32 s5, $0x0;
	s5 =	sld [smem:$0x3FAF]  }
0x2b: {  	s6 =	sld [smem:$0x3FB0]  }
0x2c: {  	s7 =	sld [smem:$0x3FB1]  }
0x2d: {  	s3 =	simm.s32 $0x108;
	s8 =	sld [smem:$0x3FB2]  }
0x2e: {  	s3 =	simm.s32 @!p0 $0x1082;
	s9 =	sld [smem:$0x3FB3]  }
0x2f: {  	lr =	sadd.s32 s0, s3;
	s0 =	sld [smem:$0x3FAA]  }
0x30: {  	s3 =	sld [smem:$0x3FAD]  }
0x31: {  	[smem:$0x3FB6] =	sst s10  }
0x32: {  	s10 =	sld [smem:$0x3FB4];
	_ =	sdelay $0x3  }
0x33: {  	p0 =	seq.s32 s10, $0x1;
	s10 =	sld [smem:$0x3FB6];
	_ =	sdelay $0x3  }
0x34: {  	[smem:$0x3FB6] =	sst s10  }
0x35: {  	s10 =	sld [smem:$0x3FB5];
	_ =	sdelay $0x3  }
0x36: {  	p1 =	seq.s32 s10, $0x1;
	s10 =	sld [smem:$0x3FB6];
	_ =	sdelay $0x3  }
0x37: {  	[smem:$0x3FB6] =	sst s10  }
0x38: {  	s10 =	sld [smem:$0x3FB7]  }
0x39: {  	_ = 	snop;
	(pc) =	sbr.ind lr, $3  }
0x3a: {  	_ = 	snop  }
0x3b: {  	_ = 	snop  }
0x3c: {  	p2 =	seq.s32 s10, $0x1;
	s10 =	sld [smem:$0x3FB6]  }
0x3d: {  	_ =	shalt  }
0x3e: {  	_ =	shalt  }
0x3f: {  	_ =	shalt  }
0x40: {  	_ =	shalt  }
0x41: {  	_ =	shalt  }
0x42: {  	_ =	shalt  }
0x43: {  	_ =	shalt  }
0x44: {  	_ =	shalt  }
0x45: {  	_ =	shalt  }
0x46: {  	_ =	shalt  }
0x47: {  	_ =	shalt  }
0x48: {  	_ =	shalt  }
0x49: {  	_ =	shalt  }
0x4a: {  	_ =	shalt  }
0x4b: {  	_ =	shalt  }
0x4c: {  	_ =	shalt  }
0x4d: {  	_ =	shalt  }
0x4e: {  	_ =	shalt  }
0x4f: {  	_ =	shalt  }
0x50: {  	_ =	shalt  }
0x51: {  	_ =	shalt  }
0x52: {  	_ =	shalt  }
0x53: {  	_ =	shalt  }
0x54: {  	_ =	shalt  }
0x55: {  	_ =	shalt  }
0x56: {  	_ =	shalt  }
0x57: {  	_ =	shalt  }
0x58: {  	_ =	shalt  }
0x59: {  	_ =	shalt  }
0x5a: {  	_ =	shalt  }
0x5b: {  	_ =	shalt  }
0x5c: {  	_ =	shalt  }
0x5d: {  	_ =	shalt  }
0x5e: {  	_ =	shalt  }
0x5f: {  	_ =	shalt  }
0x60: {  	_ =	shalt  }
0x61: {  	_ =	shalt  }
0x62: {  	_ =	shalt  }
0x63: {  	_ =	shalt  }
0x64: {  	_ =	shalt  }
0x65: {  	_ =	shalt  }
0x66: {  	_ =	shalt  }
0x67: {  	_ =	shalt  }
0x68: {  	_ =	shalt  }
0x69: {  	_ =	shalt  }
0x6a: {  	_ =	shalt  }
0x6b: {  	_ =	shalt  }
0x6c: {  	_ =	shalt  }
0x6d: {  	_ =	shalt  }
0x6e: {  	_ =	shalt  }
0x6f: {  	_ =	shalt  }
0x70: {  	_ =	shalt  }
0x71: {  	_ =	shalt  }
0x72: {  	_ =	shalt  }
0x73: {  	_ =	shalt  }
0x74: {  	_ =	shalt  }
0x75: {  	_ =	shalt  }
0x76: {  	_ =	shalt  }
0x77: {  	_ =	shalt  }
0x78: {  	_ =	shalt  }
0x79: {  	_ =	shalt  }
0x7a: {  	_ =	shalt  }
0x7b: {  	_ =	shalt  }
0x7c: {  	_ =	shalt  }
0x7d: {  	_ =	shalt  }
0x7e: {  	_ =	shalt  }
0x7f: {  	_ =	shalt  }
0x80: {  	_ =	shalt  }
0x81: {  	_ =	shalt  }
0x82: {  	_ =	shalt  }
0x83: {  	_ =	shalt  }
0x84: {  	_ =	shalt  }
0x85: {  	_ =	shalt  }
0x86: {  	_ =	shalt  }
0x87: {  	_ =	shalt  }
.Lfunc_end0:
.L_simem_size_0:
called_computation_lowered:
.L_overlay_start_0:
0x88: {  	s2 =	sld [smem:$0x3FD9]  }
0x89: {  	s3 =	sld [smem:$0x3FFE];
	_ =	sdelay $0x1  }
0x8a: {  	s1 =	srdreg.scid  }
0x8b: {  	s0 =	sand.u32 $0x1, s1  }
0x8c: {  	s17 =	sshll.u32 s0, $0xA;
	s2 =	sadd.s32 s3, s2  }
0x8d: {  	s2 =	sadd.s32 s2, s17  }
0x8e: {  	[smem:$0x3FC2] =	sst s2  }
0x8f: {  	_ = 	snop  }
0x90: {  	s2 =	sld [smem:$0x3FD0];
	(tm) =	ssettm $0x1  }
0x91: {  	s18 =	sld [smem:$0x3FFB];
	_ =	sdelay $0x3  }
0x92: {  	_ =	strace s18  }
0x93: {  	s3 =	sld [smem:$0x3FFC];
	_ =	sdelay $0x3  }
0x94: {  	_ =	strace s3  }
0x95: {  	s3 =	sld [smem:$0x3FFD];
	_ =	sdelay $0x3  }
0x96: {  	_ =	strace s3  }
0x97: {  	_ =	strace $0x8FFFFFFF  }
0x98: {  	s19 =	sld [smem:$0x3FDB];
	_ =	sdelay $0x1  }
0x99: {  	s4 =	simm.s32 $_scs_section_size  }
0x9a: {  	s5 =	simm.s32 $_size__tile_overlayer_lowered;
	s6 =	simm.s32 $_tile_overlayer_lowered  }
0x9b: {  	s22 =	simm.s32 $0x1BFF;
	s21 =	sshll.u32 s6, $0x1;
	s3 =	sadd.s32 s4, s19  }
0x9c: {  	s7 =	simm.s32 $0x0;
	s20 =	sshll.u32 s5, $0x1;
	s5 =	sadd.s32 s21, s3  }
0x9d: {  	[timem:s7], [sflag:s22] =	dma.local [hbm:s5], s20  }
0x9e: {  	_ =	swait.ge [sflag:s22], s20  }
0x9f: {  	s4 =	ssub.s32 $0x0, s20;
	[sflag:s22] =	ssyncset.done $0x0  }
0xa0: {  	[sflag:s22] =	ssyncadd.s32 s4;
	_ =	sdelay $0x1  }
0xa1: {  	s23 =	simm.s32 $0x1B8B  }
0xa2: {  	_ =	swait.ge [sflag:s23], $0x1  }
0xa3: {  	[sflag:s23] =	ssyncset.done $0x0  }
0xa4: {  	s25 =	simm.s32 $0x1B8E;
	s24 =	sld [smem:$0x3FFE];
	[sflag:s23] =	ssyncadd.s32 $0xFFFFFFFF  }
0xa5: {  	s26 =	simm.s32 $execute0_lowered;
	[smem:$0x3FD2] =	sst s25  }
0xa6: {  	s5 =	sshll.u32 s26, $0x1;
	_ =	strace $0x80000046;
	[dreg:$0x1] =	wrdreg $0xFFFFFFFF  }
0xa7: {  	s28 =	simm.s32 $_size_execute0_lowered;
	s3 =	sadd.s32 s3, s5;
	[dreg:$0x0] =	wrdreg $0x0  }
0xa8: {  	s5 =	sshll.u32 s28, $0x1;
	[dreg:$0x2] =	wrdreg s3  }
0xa9: {  	[dreg:$0x3] =	wrdreg s5  }
0xaa: {  	[dreg:$0x4] =	wrdreg $0xC0  }
0xab: {  	_ =	task [dreg:s7], $0x5FFFF  }
0xac: {  	[dreg:$0x1] =	wrdreg $0xFFFFFFFF  }
0xad: {  	[dreg:$0x0] =	wrdreg $0x60  }
0xae: {  	[dreg:$0x2] =	wrdreg s2  }
0xaf: {  	[dreg:$0x3] =	wrdreg s24  }
0xb0: {  	[dreg:$0x4] =	wrdreg $0x40800  }
0xb1: {  	[dreg:$0x5] =	wrdreg $0x9  }
0xb2: {  	_ =	task.clear_ibuf [dreg:s7], $0x6FFFF;
	_ =	strace $0x90000046  }
0xb3: {  	s29 =	simm.s32 $0x9;
	_ =	strace $0x80000048  }
0xb4: {  	_ =	swait.ge [sflag:s29], $0x1  }
0xb5: {  	[sflag:s29] =	ssyncadd.s32 $0xFFFFFFFF  }
0xb6: {  	_ =	strace $0x90000048  }
0xb7: {  	_ =	sfence  }
0xb8: {  	s30 =	sld [smem:$0x0];
	_ =	sdelay $0x2  }
0xb9: {  	s31 =	sshll.u32 s1, $0xD;
	s1 =	sshrl.u32 s1, $0x2  }
0xba: {  	s3 =	sand.u32 $0x4000, s31;
	s1 =	sadd.s32 s1, s30  }
0xbb: {  	s0 =	sor.u32 s3, s0;
	s1 =	sshll.u32 s1, $0x11  }
0xbc: {  	s0 =	sor.u32 s1, s0  }
0xbd: {  	s0 =	sadd.s32 $0x8F2B, s0  }
0xbe: {  	[sflag:s0] =	ssyncadd.remote.s32 $0x1  }
0xbf: {  	_ =	sfence.sel $0xFFFF  }
0xc0: {  	[dreg:$0x0] =	wrdreg $0xFFFFFFFF;
	(pc) =	sbr.abs _section_cstart, $3  }
0xc1: {  	[dreg:$0x1] =	wrdreg $0xFFFFFFFF  }
0xc2: {  	_ =	task.clear_ibuf [dreg:s7], $0x2FFFF;
	_ =	strace $0x9FFFFFFF  }
0xc3: {  	(tm) =	ssettm $0x7FFFFFFF  }
tec
execute0_lowered:
.L_overlay_start_1:
0x0: {  	(tag) =	ssettag $0x1  }
0x1: {  	s5 =	rddreg [dreg:$0x0]  }
0x2: {  	s6 =	rddreg [dreg:$0x1]  }
0x3: {  	s1 =	rddreg [dreg:$0x2]  }
0x4: {  	s0 =	rddreg [dreg:$0x3];
	s2 =	simm.s32 $0x0  }
0x5: {  	s3 =	srdreg.scid;
	s9 =	stileid.u32;
	s11 =	simm.s32 $0x50  }
0x6: {  	s12 =	simm.s32 $0x0;
	[smem:$0x7FF] =	sst s2;
	s7 =	sand.u32 $0x1, s3  }
0x7: {  	s3 =	sadd.s32 $0x2A00, s6;
	s4 =	sadd.s32 $0x2C00, s6;
	s31 =	sshll.u32 s9, $0xC  }
0x8: {  	p0 =	sne.s32 s9, $0x0;
	s9 =	simm.s32 $0x1;
	_ =	strace $0x80000047  }
0x9: {  	s8 =	sshll.u32 s7, $0x4;
	s30 =	ssub.s32 $0x2, s7;
	s7 =	sshll.u32 s7, $0xB  }
0xa: {  	s6 =	sadd.s32 s8, s6;
	s10 =	sshrl.u32 s30, $0x1;
	s5 =	sadd.s32 s5, s7  }
0xb: {  	s8 =	ssub.s32 s30, s10;
	s5 =	sadd.s32 s31, s5;
	s6 =	sadd.s32 $0x3200, s6  }
0xc: {  	s10 =	sshrl.u32 @!p0 s1, $0x3;
	s7 =	smax.u32 s8, $0x1;
	s8 =	simm.s32 $0x4000  }
.LBB2_1:
0xd: {  	[tilespmem:s8], [sflag:$0x1] =	stream.linear.gather [hbm4b:s3+s2], $0x80, $0x38;
	[tilespmem:$0x4300] =	vst v63  }
0xe: {  	_ =	swait.ge [sflag:s9], $0x80  }
0xf: {  	[sflag:s9] =	ssyncset.done $0x0  }
0x10: {  	[sflag:s9] =	ssyncadd.s32 $0xFFFFFF80  }
0x11: {  	[tilespmem:s2], [sflag:$0x1] =	stream.linear.gather [hbm4b:s5+s2], $0x4000, $0x38;
	[tilespmem:$0x4300] =	vst v63  }
0x12: {  	_ =	swait.ge [sflag:s9], $0x4000  }
0x13: {  	[sflag:s9] =	ssyncset.done $0x0  }
0x14: {  	s13 =	simm.s32 @!p0 $0x1C01;
	[sflag:s9] =	ssyncadd.s32 $0xFFFFC000  }
0x15: {  	[spmem:s10], [sflag:s13] =	dma.local @!p0 [hbm:s4], $0x500  }
0x16: {  	s13 =	simm.s32 @!p0 $0x1  }
0x17: {  	_ =	swait.ge @!p0 [sflag:s13], $0x500  }
0x18: {  	[sflag:s13] =	ssyncset.done @!p0 $0x0  }
0x19: {  	[sflag:s13] =	ssyncadd.s32 @!p0 $0xFFFFFB00  }
0x1a: {  	s31 =	simm.s32 $0x0;
	[bflag:$0x0] =	sbarrier.arrive $0xFFFF  }
0x1b: {  	[spmem:s1] =	stream.indirect.scatter.add.f32 [tilespmem:s8], [sflag:$0x1], $0x1, s31, s11, $0xb8;
	[tilespmem:$0x4300] =	vst v63  }
0x1c: {  	_ =	swait.ge [sflag:s9], $0x50  }
0x1d: {  	s13 =	simm.s32 $0x200;
	[sflag:s9] =	ssyncset.done $0x0  }
.LBB2_2:
0x1e: {  	s14 =	sshra.s32 s13, $0x2;
	[sflag:s9] =	ssyncadd.s32 $0xFFFFFFB0;
	p1 =	sne.s32 s13, $0xFE00  }
0x1f: {  	[spmem:s1] =	stream.indirect.scatter.add.f32 [tilespmem:s8], [sflag:$0x1], $0x1, s14, s11, $0xb8;
	[tilespmem:$0x4300] =	vst v63  }
.Ltmp0:
0x20: {  	_ = 	snop;
	(pc) =	sbr.rel @p1 .LBB2_2-.Ltmp0, $4  }
0x21: {  	_ = 	snop  }
0x22: {  	s13 =	sadd.s32 $0x200, s13  }
0x23: {  	_ =	swait.ge [sflag:s9], $0x50  }
0x24: {  	[sflag:s9] =	ssyncset.done $0x0  }
0x25: {  	[sflag:s9] =	ssyncadd.s32 $0xFFFFFFB0;
	s13 =	simm.s32 @!p0 $0x1;
	s12 =	sadd.s32 $0x1, s12  }
0x26: {  	s14 =	simm.s32 @!p0 $0x20;
	s15 =	simm.s32 @!p0 $0x10;
	p1 =	sne.s32 s12, s7  }
.Ltmp1:
0x27: {  	s16 =	simm.s32 @!p0 $0x1C01;
	[bflag:$0x0] =	sbarrier.arrive $0xFFFF;
	(pc) =	sbr.rel @p1 .LBB2_1-.Ltmp1, $4  }
0x28: {  	[hbm:s6@s14], [sflag:s16] =	dma.strided @!p0 [spmem:s10@s15], $0x500, s13, $0x10   }
0x29: {  	_ =	swait.ge @!p0 [sflag:s13], $0x500  }
0x2a: {  	[sflag:s13] =	ssyncset.done @!p0 $0x0  }
0x2b: {  	[sflag:s13] =	ssyncadd.s32 @!p0 $0xFFFFFB00  }
0x2c: {  	_ =	sfence.sel $0x180000  }
0x2d: {  	[bflag:$0x0] =	sbarrier.arrive $0xFFFF  }
0x2e: {  	_ =	strace $0x90000047  }
0x2f: {  	s0 =	sadd.s32 @!p0 $0x100000, s0;
	[bflag:$0x2] =	sbarrier.arrive $0xFFFF  }
0x30: {  	[sflag:s0] =	ssyncadd.tile.s32 @!p0 $0x1;
	_ =	shalt  }
.Lfunc_end2:
_tile_overlayer_lowered:
.L_overlay_start_2:
0x31: {  	(tag) =	ssettag $0x2  }
0x32: {  	s0 =	rddreg [dreg:$0x0];
	s2 =	stileid.u32  }
0x33: {  	s1 =	rddreg [dreg:$0x1];
	p0 =	sne.s32 s2, $0x0  }
0x34: {  	s3 =	rddreg [dreg:$0x2];
	[bflag:$0x3] =	sbarrier.arrive $0xFFFF;
	s2 =	simm.s32 @!p0 $0x1C01  }
0x35: {  	[timem:s3], [sflag:s2] =	dma.local @!p0 [hbm:s0], s1  }
0x36: {  	s0 =	simm.s32 @!p0 $0x1  }
0x37: {  	_ =	swait.ge @!p0 [sflag:s0], s1  }
0x38: {  	s1 =	ssub.s32 @!p0 $0x0, s1;
	[sflag:s0] =	ssyncset.done @!p0 $0x0  }
0x39: {  	[sflag:s0] =	ssyncadd.s32 @!p0 s1  }
0x3a: {  	[bflag:$0x3] =	sbarrier.arrive $0xFFFF  }
0x3b: {  	_ =	shalt  }

</sc_bundles>
